<compile_context>
chip_gen: v7x
topology: tpu7x:2x2x1
jax: 0.10.2.dev20260603
libtpu: 0.0.44.dev20260713+nightly
codegen_flags: <defaults>
</compile_context>

<pallas_src>
import jax
import jax.numpy as jnp
from jax import lax
from jax.experimental import pallas as pl
from jax.experimental.pallas import tpu as pltpu
from jax.experimental.pallas import tpu_sc as plsc

N = 10000
D = 128
O = 40
E = 320000

NC = 2
NS = 16
NW = NC * NS

NP = 10240
CH = 128
EP = 327680
ER = EP // CH
RW = ER // NW
NPT = NP // NS
EPW = EP // NW

_mesh = plsc.VectorSubcoreMesh(
    core_axis_name="c", subcore_axis_name="s", num_cores=NC, num_subcores=NS
)



_DEG_OUT = jax.ShapeDtypeStruct((NW * NP,), jnp.float32)
_DEG_SCRATCH = [
    pltpu.VMEM((EPW,), jnp.int32),
    pltpu.VMEM((NP,), jnp.float32),
]


def _deg_body(dst_hbm, out_hbm, dst_v, hist):
    c = lax.axis_index("c")
    s = lax.axis_index("s")
    wid = s * NC + c

    @pl.loop(0, NP // 16)
    def _(i):
        hist[pl.ds(i * 16, 16)] = jnp.zeros((16,), jnp.float32)

    pltpu.sync_copy(dst_hbm.at[pl.ds(wid * EPW, EPW)], dst_v)

    ones16 = jnp.ones((16,), jnp.float32)

    @pl.loop(0, EPW // 16)
    def _(i):
        d16 = dst_v[pl.ds(i * 16, 16)]
        plsc.addupdate_scatter(hist, [d16], ones16)

    pltpu.sync_copy(hist, out_hbm.at[pl.ds(wid * NP, NP)])


_deg_kernel = pl.kernel(
    _deg_body, out_type=_DEG_OUT, mesh=_mesh, scratch_types=_DEG_SCRATCH,
    compiler_params=pltpu.CompilerParams(needs_layout_passes=False),
)


_AGG_OUT = jax.ShapeDtypeStruct((NC, NP, D), jnp.float32)
_HRW = RW // 2
_AGG_SCRATCH = [
    pltpu.VMEM((_HRW, CH), jnp.int32),
    pltpu.VMEM((_HRW, CH), jnp.int32),
    pltpu.VMEM((CH, D), jnp.float32),
    pltpu.VMEM((CH, D), jnp.float32),
    pltpu.VMEM_SHARED((NP, D), jnp.float32),
    pltpu.SemaphoreType.DMA,
    pltpu.SemaphoreType.DMA,
]


def _agg_body(table_hbm, src_hbm, dst_hbm, out_hbm,
              src_v, dst_v, rows0, rows1, acc, sem0, sem1):
    c = lax.axis_index("c")
    s = lax.axis_index("s")
    wid = s * NC + c

    @pl.loop(0, CH)
    def _(r):
        for k in range(D // 16):
            rows0[r, pl.ds(k * 16, 16)] = jnp.zeros((16,), jnp.float32)

    for j in range(NPT // CH):
        pltpu.sync_copy(rows0, acc.at[pl.ds(NPT * s + CH * j, CH)])
    plsc.subcore_barrier()

    for ph in range(2):
        base = wid * RW + ph * _HRW
        pltpu.sync_copy(src_hbm.at[pl.ds(base, _HRW)], src_v)
        pltpu.sync_copy(dst_hbm.at[pl.ds(base, _HRW)], dst_v)
        pltpu.async_copy(table_hbm.at[src_v.at[0]], rows0, sem0)

        @pl.loop(0, _HRW // 2)
        def _(k):
            pltpu.make_async_copy(table_hbm.at[src_v.at[0]], rows0, sem0).wait()
            pltpu.async_copy(table_hbm.at[src_v.at[2 * k + 1]], rows1, sem1)
            pltpu.sync_copy(rows0, acc.at[dst_v.at[2 * k]], add=True)
            pltpu.make_async_copy(table_hbm.at[src_v.at[0]], rows1, sem1).wait()

            @pl.when(k < _HRW // 2 - 1)
            def _():
                pltpu.async_copy(table_hbm.at[src_v.at[2 * k + 2]], rows0, sem0)

            pltpu.sync_copy(rows1, acc.at[dst_v.at[2 * k + 1]], add=True)

    plsc.subcore_barrier()
    pltpu.sync_copy(acc.at[pl.ds(NPT * s, NPT)], out_hbm.at[c, pl.ds(NPT * s, NPT)])


_agg_kernel = pl.kernel(
    _agg_body, out_type=_AGG_OUT, mesh=_mesh, scratch_types=_AGG_SCRATCH
)



BR = 2000
G = N // BR


def _sumhist_body(h_ref, o_ref):
    o_ref[...] = jnp.sum(h_ref[...], axis=0, keepdims=True) + 1.0


def _sumhist(hists):
    return pl.pallas_call(
        _sumhist_body,
        in_specs=[pl.BlockSpec((NW, NP), lambda: (0, 0))],
        out_specs=pl.BlockSpec((1, NP), lambda: (0, 0)),
        out_shape=jax.ShapeDtypeStruct((1, NP), jnp.float32),
    )(hists)


def _mm_relu_body(x_ref, w_ref, b_ref, o_ref):
    o_ref[...] = jnp.maximum(
        jnp.dot(x_ref[...], w_ref[...], preferred_element_type=jnp.float32)
        + b_ref[...],
        0.0,
    )


def _mm_relu(x, w, b):
    return pl.pallas_call(
        _mm_relu_body,
        grid=(G,),
        in_specs=[
            pl.BlockSpec((BR, D), lambda i: (i, 0)),
            pl.BlockSpec((D, D), lambda i: (0, 0)),
            pl.BlockSpec((1, D), lambda i: (0, 0)),
        ],
        out_specs=pl.BlockSpec((BR, D), lambda i: (i, 0)),
        out_shape=jax.ShapeDtypeStruct((N, D), jnp.float32),
    )(x, w, b.reshape(1, D))


def _pre_body(x_ref, wi_ref, b_ref, w_ref, d_ref, s_ref, dis_ref):
    h = jnp.maximum(
        jnp.dot(x_ref[...], wi_ref[...], preferred_element_type=jnp.float32)
        + b_ref[...],
        0.0,
    )
    dis = lax.rsqrt(d_ref[...])
    dis_ref[...] = dis
    s_ref[...] = (
        jnp.dot(h, w_ref[...], preferred_element_type=jnp.float32) * dis
    )


def _pre(x, wi, b, w, d):
    return pl.pallas_call(
        _pre_body,
        grid=(G,),
        in_specs=[
            pl.BlockSpec((BR, D), lambda i: (i, 0)),
            pl.BlockSpec((D, D), lambda i: (0, 0)),
            pl.BlockSpec((1, D), lambda i: (0, 0)),
            pl.BlockSpec((D, D), lambda i: (0, 0)),
            pl.BlockSpec((BR, 1), lambda i: (i, 0)),
        ],
        out_specs=[
            pl.BlockSpec((BR, D), lambda i: (i, 0)),
            pl.BlockSpec((BR, 1), lambda i: (i, 0)),
        ],
        out_shape=[
            jax.ShapeDtypeStruct((N, D), jnp.float32),
            jax.ShapeDtypeStruct((N, 1), jnp.float32),
        ],
    )(x, wi, b.reshape(1, D), w, d)


def _post_body(p0_ref, p1_ref, s_ref, dis_ref, b_ref, t_ref, sums_ref):
    t = (
        dis_ref[...] * (p0_ref[0] + p1_ref[0] + s_ref[...]) + b_ref[...]
    )
    t_ref[...] = t
    st = jnp.sum(t)
    st2 = jnp.sum(t * t)
    col = lax.broadcasted_iota(jnp.int32, (1, D), 1)
    sums_ref[0] = jnp.where(col == 0, st, 0.0) + jnp.where(col == 1, st2, 0.0)


def _post(p, s, dis, b):
    return pl.pallas_call(
        _post_body,
        grid=(G,),
        in_specs=[
            pl.BlockSpec((1, BR, D), lambda i: (0, i, 0)),
            pl.BlockSpec((1, BR, D), lambda i: (1, i, 0)),
            pl.BlockSpec((BR, D), lambda i: (i, 0)),
            pl.BlockSpec((BR, 1), lambda i: (i, 0)),
            pl.BlockSpec((1, D), lambda i: (0, 0)),
        ],
        out_specs=[
            pl.BlockSpec((BR, D), lambda i: (i, 0)),
            pl.BlockSpec((1, 1, D), lambda i: (i, 0, 0)),
        ],
        out_shape=[
            jax.ShapeDtypeStruct((N, D), jnp.float32),
            jax.ShapeDtypeStruct((G, 1, D), jnp.float32),
        ],
    )(p, p, s, dis, b.reshape(1, D))


_M = float(N * D)
_EPS = 1e-5


def _ln_mm_body(t_ref, sums_ref, dis_ref, g_ref, be_ref, w_ref, o_ref):
    sums = sums_ref[...]
    mean = jnp.sum(sums[:, 0, 0]) / _M
    var = jnp.sum(sums[:, 0, 1]) / _M - mean * mean
    inv = lax.rsqrt(var + _EPS)
    h = jnp.maximum((t_ref[...] - mean) * inv * g_ref[...] + be_ref[...], 0.0)
    o_ref[...] = (
        jnp.dot(h, w_ref[...], preferred_element_type=jnp.float32) * dis_ref[...]
    )


def _ln_mm(t, sums, dis, g, be, w):
    return pl.pallas_call(
        _ln_mm_body,
        grid=(G,),
        in_specs=[
            pl.BlockSpec((BR, D), lambda i: (i, 0)),
            pl.BlockSpec((G, 1, D), lambda i: (0, 0, 0)),
            pl.BlockSpec((BR, 1), lambda i: (i, 0)),
            pl.BlockSpec((1, D), lambda i: (0, 0)),
            pl.BlockSpec((1, D), lambda i: (0, 0)),
            pl.BlockSpec((D, D), lambda i: (0, 0)),
        ],
        out_specs=pl.BlockSpec((BR, D), lambda i: (i, 0)),
        out_shape=jax.ShapeDtypeStruct((N, D), jnp.float32),
    )(t, sums, dis, g.reshape(1, D), be.reshape(1, D), w)


def _final_body(t_ref, sums_ref, g_ref, be_ref, w_ref, b_ref, o_ref):
    sums = sums_ref[...]
    mean = jnp.sum(sums[:, 0, 0]) / _M
    var = jnp.sum(sums[:, 0, 1]) / _M - mean * mean
    inv = lax.rsqrt(var + _EPS)
    h = jnp.maximum((t_ref[...] - mean) * inv * g_ref[...] + be_ref[...], 0.0)
    logits = (
        jnp.dot(h, w_ref[...], preferred_element_type=jnp.float32) + b_ref[...]
    )
    m = jnp.max(logits, axis=-1, keepdims=True)
    e = jnp.exp(logits - m)
    o_ref[...] = e / jnp.sum(e, axis=-1, keepdims=True)


def _final(t, sums, g, be, w, b):
    return pl.pallas_call(
        _final_body,
        grid=(G,),
        in_specs=[
            pl.BlockSpec((BR, D), lambda i: (i, 0)),
            pl.BlockSpec((G, 1, D), lambda i: (0, 0, 0)),
            pl.BlockSpec((1, D), lambda i: (0, 0)),
            pl.BlockSpec((1, D), lambda i: (0, 0)),
            pl.BlockSpec((D, O), lambda i: (0, 0)),
            pl.BlockSpec((1, O), lambda i: (0, 0)),
        ],
        out_specs=pl.BlockSpec((BR, O), lambda i: (i, 0)),
        out_shape=jax.ShapeDtypeStruct((N, O), jnp.float32),
    )(t, sums, g.reshape(1, D), be.reshape(1, D), w, b.reshape(1, O))



def kernel(x, edge_index, W_in, b_in, W1, b1, g1, be1, W2, b2, g2, be2,
           W_out, b_out):
    npad = EP - E
    pad_src = (jnp.arange(npad, dtype=jnp.int32) * 991) % N
    pad_dst = N + (jnp.arange(npad, dtype=jnp.int32) % (NP - N))
    src1 = jnp.concatenate([edge_index[0], pad_src])
    dst1 = jnp.concatenate([edge_index[1], pad_dst])
    src2 = src1.reshape(ER, CH)
    dst2 = dst1.reshape(ER, CH)

    hists = _deg_kernel(dst1).reshape(NW, NP)
    degv = _sumhist(hists)
    d = degv.reshape(NP, 1)[:N]

    scaled1, dis = _pre(x, W_in, b_in, W1, d)

    pa = _agg_kernel(scaled1, src2, dst2)
    t1, s1 = _post(pa, scaled1, dis, b1)
    scaled2 = _ln_mm(t1, s1, dis, g1, be1, W2)

    pb = _agg_kernel(scaled2, src2, dst2)
    t2, s2 = _post(pb, scaled2, dis, b2)
    return _final(t2, s2, g2, be2, W_out, b_out)

# --- scband reference (transcript-rebuilt; emitter-appended) ---
"""Pipeline reference for scband-gcn-35235911696473 (READ-ONLY COPY).

The authoritative reference and input builder live on the scoring server;
editing this copy changes nothing except your own understanding.
"""

import jax, jax.numpy as jnp
import numpy as np

N = 10000
E = 320000
D = 128
H = 128
O = 40


def setup_inputs(seed: int = 0) -> dict:
    key = jax.random.key(seed)
    ks = jax.random.split(key, 16)
    s = 0.05
    inp = {}
    inp["x"] = jax.random.normal(ks[0], (N, D), dtype=jnp.float32)
    inp["edge_index"] = jax.random.randint(ks[1], (2, E), 0, N, dtype=jnp.int32)
    inp["W_in"] = jax.random.normal(ks[2], (D, H), dtype=jnp.float32) * s
    inp["b_in"] = jnp.zeros((H,), dtype=jnp.float32)
    inp["W1"] = jax.random.normal(ks[3], (H, H), dtype=jnp.float32) * s
    inp["b1"] = jnp.zeros((H,), dtype=jnp.float32)
    inp["g1"] = jnp.ones((H,), dtype=jnp.float32)
    inp["be1"] = jnp.zeros((H,), dtype=jnp.float32)
    inp["W2"] = jax.random.normal(ks[4], (H, H), dtype=jnp.float32) * s
    inp["b2"] = jnp.zeros((H,), dtype=jnp.float32)
    inp["g2"] = jnp.ones((H,), dtype=jnp.float32)
    inp["be2"] = jnp.zeros((H,), dtype=jnp.float32)
    inp["W_out"] = jax.random.normal(ks[5], (H, O), dtype=jnp.float32) * s
    inp["b_out"] = jnp.zeros((O,), dtype=jnp.float32)
    return inp


def _gcn_conv(x, edge_index, W, b):
    # GCNConv with add_self_loops=True and symmetric normalization (PyG gcn_norm)
    loop = jnp.arange(N, dtype=edge_index.dtype)
    src = jnp.concatenate([edge_index[0], loop])
    dst = jnp.concatenate([edge_index[1], loop])
    ew = jnp.ones(src.shape[0], dtype=x.dtype)
    deg = jnp.zeros((N,), dtype=x.dtype).at[dst].add(ew)
    dis = jnp.where(deg > 0, jax.lax.rsqrt(jnp.maximum(deg, 1e-12)), 0.0)
    norm = dis[src] * dis[dst]
    h = x @ W
    msg = h[src] * norm[:, None]
    out = jnp.zeros_like(h).at[dst].add(msg)
    return out + b


def _graph_layer_norm(x, g, be, eps=1e-5):
    # PyG LayerNorm(mode='graph'): normalize over all nodes and features of the graph
    mean = jnp.mean(x)
    var = jnp.mean((x - mean) ** 2)
    return (x - mean) / jnp.sqrt(var + eps) * g + be


def reference(x, edge_index, W_in, b_in, W1, b1, g1, be1, W2, b2, g2, be2, W_out, b_out):
    h = jax.nn.relu(x @ W_in + b_in)
    for W, b, g, be in ((W1, b1, g1, be1), (W2, b2, g2, be2)):
        h = _gcn_conv(h, edge_index, W, b)
        h = _graph_layer_norm(h, g, be)
        h = jax.nn.relu(h)
        # dropout omitted (eval mode / deterministic reference)
    out = h @ W_out + b_out
    return jax.nn.softmax(out, axis=-1)

if __name__ == "__main__":
    import jax
    _d = setup_inputs()
    print(jax.jit(kernel)(*tuple(_d.values())))

</pallas_src>

<mosaic_0001>
#map = affine_map<(d0, d1) -> (0)>
module attributes {stable_mosaic.version = 14 : i64} {
  func.func @_deg_body(%arg0: i32, %arg1: i32, %arg2: memref<327680xi32, #tpu.memory_space<hbm>>, %arg3: memref<327680xf32, #tpu.memory_space<hbm>>, %arg4: memref<10240xi32, #tpu.memory_space<vmem>>, %arg5: memref<10240xf32, #tpu.memory_space<vmem>>) attributes {dimension_semantics = [#tpu.dimension_semantics<core_parallel>, #tpu.dimension_semantics<subcore_parallel>], iteration_bounds = array<i64: 2, 16>, scalar_prefetch = 0 : i64, scratch_operands = 2 : i64, tpu.core_type = #tpu.core_type<sc_vector_subcore>, window_params = [{transform_indices = #map}, {transform_indices = #map}]} {
    %mul3A = arith.constant 2 : i32
    %mul3A_0 = arith.muli %arg1, %mul3A : i32
    %add3A = arith.addi %mul3A_0, %arg0 : i32
    %scan3A = arith.constant 0 : i32
    %scan3A_1 = arith.constant 640 : i32
    %scan3A_2 = arith.addi %scan3A, %scan3A_1 : i32
    %scan3A_3 = arith.constant 1 : i32
    scf.for %scan3A_15 = %scan3A to %scan3A_2 step %scan3A_3  : i32 {
      %mul3A_16 = arith.constant 1 : i32
      %mul3A_17 = arith.muli %scan3A_15, %mul3A_16 : i32
      %add3A_18 = arith.constant 0 : i32
      %add3A_19 = arith.addi %add3A_18, %mul3A_17 : i32
      %broadcast_in_dim3A_20 = arith.constant 0.000000e+00 : f32
      %broadcast_in_dim3A_21 = vector.broadcast %broadcast_in_dim3A_20 : f32 to vector<16xf32>
      %mul3A_22 = arith.constant 16 : i32
      %mul3A_23 = arith.muli %add3A_19, %mul3A_22 : i32
      %swap3A = arith.index_cast %mul3A_23 : i32 to index
      %swap3A_24 = tpu.vector_load %arg5[%swap3A] {strides = array<i32>} : memref<10240xf32, #tpu.memory_space<vmem>>, vector<16xf32>,
      tpu.vector_store %arg5[%swap3A], %broadcast_in_dim3A_21 {strides = array<i32>} : memref<10240xf32, #tpu.memory_space<vmem>>, vector<16xf32>,
    }
    %scan3A_4 = arith.constant 640 : i32
    %mul3A_5 = arith.constant 10240 : i32
    %mul3A_6 = arith.muli %add3A, %mul3A_5 : i32
    "tpu.region"() ({
      %run_scoped3A = tpu.sem_alloc : memref<!tpu.dma_semaphore, #tpu.memory_space<semaphore_mem>>
      %dma_start3A = tpu.memref_slice %arg2[%mul3A_6] : memref<327680xi32, #tpu.memory_space<hbm>> -> memref<10240xi32, #tpu.memory_space<hbm>>
      %dma_start3A_15 = tpu.memref_slice %arg2[%mul3A_6] : memref<327680xi32, #tpu.memory_space<hbm>> -> memref<10240xi32, #tpu.memory_space<hbm>>
      tpu.enqueue_dma source(%dma_start3A_15 : memref<10240xi32, #tpu.memory_space<hbm>>) target(%arg4 : memref<10240xi32, #tpu.memory_space<vmem>>) target_semaphore(%run_scoped3A : memref<!tpu.dma_semaphore, #tpu.memory_space<semaphore_mem>>)
      %dma_wait3A = tpu.memref_slice %arg2[%mul3A_6] : memref<327680xi32, #tpu.memory_space<hbm>> -> memref<10240xi32, #tpu.memory_space<hbm>>
      %dma_wait3A_16 = tpu.memref_slice %arg2[%mul3A_6] : memref<327680xi32, #tpu.memory_space<hbm>> -> memref<10240xi32, #tpu.memory_space<hbm>>
      tpu.wait_dma2 semaphore(%run_scoped3A : memref<!tpu.dma_semaphore, #tpu.memory_space<semaphore_mem>>) src(%dma_wait3A_16 : memref<10240xi32, #tpu.memory_space<hbm>>) dst(%arg4 : memref<10240xi32, #tpu.memory_space<vmem>>)
      tpu.yield
    }) : () -> ()
    %broadcast_in_dim3A = arith.constant 1.000000e+00 : f32
    %broadcast_in_dim3A_7 = vector.broadcast %broadcast_in_dim3A : f32 to vector<16xf32>
    %scan3A_8 = arith.constant 0 : i32
    %scan3A_9 = arith.constant 640 : i32
    %scan3A_10 = arith.addi %scan3A_8, %scan3A_9 : i32
    %scan3A_11 = arith.constant 1 : i32
    scf.for %scan3A_15 = %scan3A_8 to %scan3A_10 step %scan3A_11  : i32 {
      %mul3A_16 = arith.constant 1 : i32
      %mul3A_17 = arith.muli %scan3A_15, %mul3A_16 : i32
      %add3A_18 = arith.constant 0 : i32
      %add3A_19 = arith.addi %add3A_18, %mul3A_17 : i32
      %mul3A_20 = arith.constant 16 : i32
      %mul3A_21 = arith.muli %add3A_19, %mul3A_20 : i32
      %get3A = arith.index_cast %mul3A_21 : i32 to index
      %get3A_22 = tpu.vector_load %arg4[%get3A] {strides = array<i32>} : memref<10240xi32, #tpu.memory_space<vmem>>, vector<16xi32>,
      tpu.vector_store_idx %arg5[%get3A_22], %broadcast_in_dim3A_7 {add = true} : memref<10240xf32, #tpu.memory_space<vmem>>[vector<16xi32>], vector<16xf32>,
    }
    %scan3A_12 = arith.constant 640 : i32
    %mul3A_13 = arith.constant 10240 : i32
    %mul3A_14 = arith.muli %add3A, %mul3A_13 : i32
    "tpu.region"() ({
      %run_scoped3A = tpu.sem_alloc : memref<!tpu.dma_semaphore, #tpu.memory_space<semaphore_mem>>
      %dma_start3A = tpu.memref_slice %arg3[%mul3A_14] : memref<327680xf32, #tpu.memory_space<hbm>> -> memref<10240xf32, #tpu.memory_space<hbm>>
      %dma_start3A_15 = tpu.memref_slice %arg3[%mul3A_14] : memref<327680xf32, #tpu.memory_space<hbm>> -> memref<10240xf32, #tpu.memory_space<hbm>>
      tpu.enqueue_dma source(%arg5 : memref<10240xf32, #tpu.memory_space<vmem>>) target(%dma_start3A_15 : memref<10240xf32, #tpu.memory_space<hbm>>) target_semaphore(%run_scoped3A : memref<!tpu.dma_semaphore, #tpu.memory_space<semaphore_mem>>)
      %dma_wait3A = tpu.memref_slice %arg3[%mul3A_14] : memref<327680xf32, #tpu.memory_space<hbm>> -> memref<10240xf32, #tpu.memory_space<hbm>>
      %dma_wait3A_16 = tpu.memref_slice %arg3[%mul3A_14] : memref<327680xf32, #tpu.memory_space<hbm>> -> memref<10240xf32, #tpu.memory_space<hbm>>
      tpu.wait_dma2 semaphore(%run_scoped3A : memref<!tpu.dma_semaphore, #tpu.memory_space<semaphore_mem>>) src(%arg5 : memref<10240xf32, #tpu.memory_space<vmem>>) dst(%dma_wait3A_16 : memref<10240xf32, #tpu.memory_space<hbm>>)
      tpu.yield
    }) : () -> ()
    return
  }
}

#map = affine_map<(d0, d1) -> (0, 0)>
#map1 = affine_map<(d0, d1) -> (0, 0, 0)>
module attributes {stable_mosaic.version = 14 : i64} {
  func.func @_agg_body(%arg0: i32, %arg1: i32, %arg2: memref<10000x128xf32, #tpu.memory_space<hbm>>, %arg3: memref<2560x128xi32, #tpu.memory_space<hbm>>, %arg4: memref<2560x128xi32, #tpu.memory_space<hbm>>, %arg5: memref<2x10240x128xf32, #tpu.memory_space<hbm>>, %arg6: memref<40x128xi32, #tpu.memory_space<vmem>>, %arg7: memref<40x128xi32, #tpu.memory_space<vmem>>, %arg8: memref<128x128xf32, #tpu.memory_space<vmem>>, %arg9: memref<128x128xf32, #tpu.memory_space<vmem>>, %arg10: memref<10240x128xf32, #tpu.memory_space<vmem_shared>>, %arg11: memref<!tpu.dma_semaphore, #tpu.memory_space<semaphore_mem>>, %arg12: memref<!tpu.dma_semaphore, #tpu.memory_space<semaphore_mem>>) attributes {dimension_semantics = [#tpu.dimension_semantics<core_parallel>, #tpu.dimension_semantics<subcore_parallel>], iteration_bounds = array<i64: 2, 16>, scalar_prefetch = 0 : i64, scratch_operands = 7 : i64, tpu.core_type = #tpu.core_type<sc_vector_subcore>, window_params = [{transform_indices = #map}, {transform_indices = #map}, {transform_indices = #map}, {transform_indices = #map1}]} {
    %mul3A = arith.constant 2 : i32
    %mul3A_0 = arith.muli %arg1, %mul3A : i32
    %add3A = arith.addi %mul3A_0, %arg0 : i32
    %scan3A = arith.constant 0 : i32
    %scan3A_1 = arith.constant 128 : i32
    %scan3A_2 = arith.addi %scan3A, %scan3A_1 : i32
    %scan3A_3 = arith.constant 1 : i32
    scf.for %scan3A_61 = %scan3A to %scan3A_2 step %scan3A_3  : i32 {
      %mul3A_62 = arith.constant 1 : i32
      %mul3A_63 = arith.muli %scan3A_61, %mul3A_62 : i32
      %add3A_64 = arith.constant 0 : i32
      %add3A_65 = arith.addi %add3A_64, %mul3A_63 : i32
      %broadcast_in_dim3A = arith.constant 0.000000e+00 : f32
      %broadcast_in_dim3A_66 = vector.broadcast %broadcast_in_dim3A : f32 to vector<16xf32>
      %swap3A = arith.index_cast %add3A_65 : i32 to index
      %swap3A_67 = arith.constant 0 : index
      %swap3A_68 = tpu.vector_load %arg8[%swap3A, %swap3A_67] {strides = array<i32>} : memref<128x128xf32, #tpu.memory_space<vmem>>, vector<1x16xf32>,
      %swap3A_69 = vector.shape_cast %swap3A_68 : vector<1x16xf32> to vector<16xf32>
      %swap3A_70 = vector.shape_cast %broadcast_in_dim3A_66 : vector<16xf32> to vector<1x16xf32>
      tpu.vector_store %arg8[%swap3A, %swap3A_67], %swap3A_70 {strides = array<i32>} : memref<128x128xf32, #tpu.memory_space<vmem>>, vector<1x16xf32>,
      %broadcast_in_dim3A_71 = arith.constant 0.000000e+00 : f32
      %broadcast_in_dim3A_72 = vector.broadcast %broadcast_in_dim3A_71 : f32 to vector<16xf32>
      %swap3A_73 = arith.index_cast %add3A_65 : i32 to index
      %swap3A_74 = arith.constant 16 : index
      %swap3A_75 = tpu.vector_load %arg8[%swap3A_73, %swap3A_74] {strides = array<i32>} : memref<128x128xf32, #tpu.memory_space<vmem>>, vector<1x16xf32>,
      %swap3A_76 = vector.shape_cast %swap3A_75 : vector<1x16xf32> to vector<16xf32>
      %swap3A_77 = vector.shape_cast %broadcast_in_dim3A_72 : vector<16xf32> to vector<1x16xf32>
      tpu.vector_store %arg8[%swap3A_73, %swap3A_74], %swap3A_77 {strides = array<i32>} : memref<128x128xf32, #tpu.memory_space<vmem>>, vector<1x16xf32>,
      %broadcast_in_dim3A_78 = arith.constant 0.000000e+00 : f32
      %broadcast_in_dim3A_79 = vector.broadcast %broadcast_in_dim3A_78 : f32 to vector<16xf32>
      %swap3A_80 = arith.index_cast %add3A_65 : i32 to index
      %swap3A_81 = arith.constant 32 : index
      %swap3A_82 = tpu.vector_load %arg8[%swap3A_80, %swap3A_81] {strides = array<i32>} : memref<128x128xf32, #tpu.memory_space<vmem>>, vector<1x16xf32>,
      %swap3A_83 = vector.shape_cast %swap3A_82 : vector<1x16xf32> to vector<16xf32>
      %swap3A_84 = vector.shape_cast %broadcast_in_dim3A_79 : vector<16xf32> to vector<1x16xf32>
      tpu.vector_store %arg8[%swap3A_80, %swap3A_81], %swap3A_84 {strides = array<i32>} : memref<128x128xf32, #tpu.memory_space<vmem>>, vector<1x16xf32>,
      %broadcast_in_dim3A_85 = arith.constant 0.000000e+00 : f32
      %broadcast_in_dim3A_86 = vector.broadcast %broadcast_in_dim3A_85 : f32 to vector<16xf32>
      %swap3A_87 = arith.index_cast %add3A_65 : i32 to index
      %swap3A_88 = arith.constant 48 : index
      %swap3A_89 = tpu.vector_load %arg8[%swap3A_87, %swap3A_88] {strides = array<i32>} : memref<128x128xf32, #tpu.memory_space<vmem>>, vector<1x16xf32>,
      %swap3A_90 = vector.shape_cast %swap3A_89 : vector<1x16xf32> to vector<16xf32>
      %swap3A_91 = vector.shape_cast %broadcast_in_dim3A_86 : vector<16xf32> to vector<1x16xf32>
      tpu.vector_store %arg8[%swap3A_87, %swap3A_88], %swap3A_91 {strides = array<i32>} : memref<128x128xf32, #tpu.memory_space<vmem>>, vector<1x16xf32>,
      %broadcast_in_dim3A_92 = arith.constant 0.000000e+00 : f32
      %broadcast_in_dim3A_93 = vector.broadcast %broadcast_in_dim3A_92 : f32 to vector<16xf32>
      %swap3A_94 = arith.index_cast %add3A_65 : i32 to index
      %swap3A_95 = arith.constant 64 : index
      %swap3A_96 = tpu.vector_load %arg8[%swap3A_94, %swap3A_95] {strides = array<i32>} : memref<128x128xf32, #tpu.memory_space<vmem>>, vector<1x16xf32>,
      %swap3A_97 = vector.shape_cast %swap3A_96 : vector<1x16xf32> to vector<16xf32>
      %swap3A_98 = vector.shape_cast %broadcast_in_dim3A_93 : vector<16xf32> to vector<1x16xf32>
      tpu.vector_store %arg8[%swap3A_94, %swap3A_95], %swap3A_98 {strides = array<i32>} : memref<128x128xf32, #tpu.memory_space<vmem>>, vector<1x16xf32>,
      %broadcast_in_dim3A_99 = arith.constant 0.000000e+00 : f32
      %broadcast_in_dim3A_100 = vector.broadcast %broadcast_in_dim3A_99 : f32 to vector<16xf32>
      %swap3A_101 = arith.index_cast %add3A_65 : i32 to index
      %swap3A_102 = arith.constant 80 : index
      %swap3A_103 = tpu.vector_load %arg8[%swap3A_101, %swap3A_102] {strides = array<i32>} : memref<128x128xf32, #tpu.memory_space<vmem>>, vector<1x16xf32>,
      %swap3A_104 = vector.shape_cast %swap3A_103 : vector<1x16xf32> to vector<16xf32>
      %swap3A_105 = vector.shape_cast %broadcast_in_dim3A_100 : vector<16xf32> to vector<1x16xf32>
      tpu.vector_store %arg8[%swap3A_101, %swap3A_102], %swap3A_105 {strides = array<i32>} : memref<128x128xf32, #tpu.memory_space<vmem>>, vector<1x16xf32>,
      %broadcast_in_dim3A_106 = arith.constant 0.000000e+00 : f32
      %broadcast_in_dim3A_107 = vector.broadcast %broadcast_in_dim3A_106 : f32 to vector<16xf32>
      %swap3A_108 = arith.index_cast %add3A_65 : i32 to index
      %swap3A_109 = arith.constant 96 : index
      %swap3A_110 = tpu.vector_load %arg8[%swap3A_108, %swap3A_109] {strides = array<i32>} : memref<128x128xf32, #tpu.memory_space<vmem>>, vector<1x16xf32>,
      %swap3A_111 = vector.shape_cast %swap3A_110 : vector<1x16xf32> to vector<16xf32>
      %swap3A_112 = vector.shape_cast %broadcast_in_dim3A_107 : vector<16xf32> to vector<1x16xf32>
      tpu.vector_store %arg8[%swap3A_108, %swap3A_109], %swap3A_112 {strides = array<i32>} : memref<128x128xf32, #tpu.memory_space<vmem>>, vector<1x16xf32>,
      %broadcast_in_dim3A_113 = arith.constant 0.000000e+00 : f32
      %broadcast_in_dim3A_114 = vector.broadcast %broadcast_in_dim3A_113 : f32 to vector<16xf32>
      %swap3A_115 = arith.index_cast %add3A_65 : i32 to index
      %swap3A_116 = arith.constant 112 : index
      %swap3A_117 = tpu.vector_load %arg8[%swap3A_115, %swap3A_116] {strides = array<i32>} : memref<128x128xf32, #tpu.memory_space<vmem>>, vector<1x16xf32>,
      %swap3A_118 = vector.shape_cast %swap3A_117 : vector<1x16xf32> to vector<16xf32>
      %swap3A_119 = vector.shape_cast %broadcast_in_dim3A_114 : vector<16xf32> to vector<1x16xf32>
      tpu.vector_store %arg8[%swap3A_115, %swap3A_116], %swap3A_119 {strides = array<i32>} : memref<128x128xf32, #tpu.memory_space<vmem>>, vector<1x16xf32>,
    }
    %scan3A_4 = arith.constant 128 : i32
    %mul3A_5 = arith.constant 640 : i32
    %mul3A_6 = arith.muli %mul3A_5, %arg1 : i32
    %add3A_7 = arith.constant 0 : i32
    %add3A_8 = arith.addi %mul3A_6, %add3A_7 : i32
    "tpu.region"() ({
      %run_scoped3A = tpu.sem_alloc : memref<!tpu.dma_semaphore, #tpu.memory_space<semaphore_mem>>
      %dma_start3A_61 = arith.constant 0 : i32
      %dma_start3A_62 = tpu.memref_slice %arg10[%add3A_8, %dma_start3A_61] : memref<10240x128xf32, #tpu.memory_space<vmem_shared>> -> memref<128x128xf32, #tpu.memory_space<vmem_shared>>
      %dma_start3A_63 = arith.constant 0 : i32
      %dma_start3A_64 = tpu.memref_slice %arg10[%add3A_8, %dma_start3A_63] : memref<10240x128xf32, #tpu.memory_space<vmem_shared>> -> memref<128x128xf32, #tpu.memory_space<vmem_shared>>
      tpu.enqueue_dma source(%arg8 : memref<128x128xf32, #tpu.memory_space<vmem>>) target(%dma_start3A_64 : memref<128x128xf32, #tpu.memory_space<vmem_shared>>) target_semaphore(%run_scoped3A : memref<!tpu.dma_semaphore, #tpu.memory_space<semaphore_mem>>)
      %dma_wait3A = arith.constant 0 : i32
      %dma_wait3A_65 = tpu.memref_slice %arg10[%add3A_8, %dma_wait3A] : memref<10240x128xf32, #tpu.memory_space<vmem_shared>> -> memref<128x128xf32, #tpu.memory_space<vmem_shared>>
      %dma_wait3A_66 = arith.constant 0 : i32
      %dma_wait3A_67 = tpu.memref_slice %arg10[%add3A_8, %dma_wait3A_66] : memref<10240x128xf32, #tpu.memory_space<vmem_shared>> -> memref<128x128xf32, #tpu.memory_space<vmem_shared>>
      tpu.wait_dma2 semaphore(%run_scoped3A : memref<!tpu.dma_semaphore, #tpu.memory_space<semaphore_mem>>) src(%arg8 : memref<128x128xf32, #tpu.memory_space<vmem>>) dst(%dma_wait3A_67 : memref<128x128xf32, #tpu.memory_space<vmem_shared>>)
      tpu.yield
    }) : () -> ()
    %mul3A_9 = arith.constant 640 : i32
    %mul3A_10 = arith.muli %mul3A_9, %arg1 : i32
    %add3A_11 = arith.constant 128 : i32
    %add3A_12 = arith.addi %mul3A_10, %add3A_11 : i32
    "tpu.region"() ({
      %run_scoped3A = tpu.sem_alloc : memref<!tpu.dma_semaphore, #tpu.memory_space<semaphore_mem>>
      %dma_start3A_61 = arith.constant 0 : i32
      %dma_start3A_62 = tpu.memref_slice %arg10[%add3A_12, %dma_start3A_61] : memref<10240x128xf32, #tpu.memory_space<vmem_shared>> -> memref<128x128xf32, #tpu.memory_space<vmem_shared>>
      %dma_start3A_63 = arith.constant 0 : i32
      %dma_start3A_64 = tpu.memref_slice %arg10[%add3A_12, %dma_start3A_63] : memref<10240x128xf32, #tpu.memory_space<vmem_shared>> -> memref<128x128xf32, #tpu.memory_space<vmem_shared>>
      tpu.enqueue_dma source(%arg8 : memref<128x128xf32, #tpu.memory_space<vmem>>) target(%dma_start3A_64 : memref<128x128xf32, #tpu.memory_space<vmem_shared>>) target_semaphore(%run_scoped3A : memref<!tpu.dma_semaphore, #tpu.memory_space<semaphore_mem>>)
      %dma_wait3A = arith.constant 0 : i32
      %dma_wait3A_65 = tpu.memref_slice %arg10[%add3A_12, %dma_wait3A] : memref<10240x128xf32, #tpu.memory_space<vmem_shared>> -> memref<128x128xf32, #tpu.memory_space<vmem_shared>>
      %dma_wait3A_66 = arith.constant 0 : i32
      %dma_wait3A_67 = tpu.memref_slice %arg10[%add3A_12, %dma_wait3A_66] : memref<10240x128xf32, #tpu.memory_space<vmem_shared>> -> memref<128x128xf32, #tpu.memory_space<vmem_shared>>
      tpu.wait_dma2 semaphore(%run_scoped3A : memref<!tpu.dma_semaphore, #tpu.memory_space<semaphore_mem>>) src(%arg8 : memref<128x128xf32, #tpu.memory_space<vmem>>) dst(%dma_wait3A_67 : memref<128x128xf32, #tpu.memory_space<vmem_shared>>)
      tpu.yield
    }) : () -> ()
    %mul3A_13 = arith.constant 640 : i32
    %mul3A_14 = arith.muli %mul3A_13, %arg1 : i32
    %add3A_15 = arith.constant 256 : i32
    %add3A_16 = arith.addi %mul3A_14, %add3A_15 : i32
    "tpu.region"() ({
      %run_scoped3A = tpu.sem_alloc : memref<!tpu.dma_semaphore, #tpu.memory_space<semaphore_mem>>
      %dma_start3A_61 = arith.constant 0 : i32
      %dma_start3A_62 = tpu.memref_slice %arg10[%add3A_16, %dma_start3A_61] : memref<10240x128xf32, #tpu.memory_space<vmem_shared>> -> memref<128x128xf32, #tpu.memory_space<vmem_shared>>
      %dma_start3A_63 = arith.constant 0 : i32
      %dma_start3A_64 = tpu.memref_slice %arg10[%add3A_16, %dma_start3A_63] : memref<10240x128xf32, #tpu.memory_space<vmem_shared>> -> memref<128x128xf32, #tpu.memory_space<vmem_shared>>
      tpu.enqueue_dma source(%arg8 : memref<128x128xf32, #tpu.memory_space<vmem>>) target(%dma_start3A_64 : memref<128x128xf32, #tpu.memory_space<vmem_shared>>) target_semaphore(%run_scoped3A : memref<!tpu.dma_semaphore, #tpu.memory_space<semaphore_mem>>)
      %dma_wait3A = arith.constant 0 : i32
      %dma_wait3A_65 = tpu.memref_slice %arg10[%add3A_16, %dma_wait3A] : memref<10240x128xf32, #tpu.memory_space<vmem_shared>> -> memref<128x128xf32, #tpu.memory_space<vmem_shared>>
      %dma_wait3A_66 = arith.constant 0 : i32
      %dma_wait3A_67 = tpu.memref_slice %arg10[%add3A_16, %dma_wait3A_66] : memref<10240x128xf32, #tpu.memory_space<vmem_shared>> -> memref<128x128xf32, #tpu.memory_space<vmem_shared>>
      tpu.wait_dma2 semaphore(%run_scoped3A : memref<!tpu.dma_semaphore, #tpu.memory_space<semaphore_mem>>) src(%arg8 : memref<128x128xf32, #tpu.memory_space<vmem>>) dst(%dma_wait3A_67 : memref<128x128xf32, #tpu.memory_space<vmem_shared>>)
      tpu.yield
    }) : () -> ()
    %mul3A_17 = arith.constant 640 : i32
    %mul3A_18 = arith.muli %mul3A_17, %arg1 : i32
    %add3A_19 = arith.constant 384 : i32
    %add3A_20 = arith.addi %mul3A_18, %add3A_19 : i32
    "tpu.region"() ({
      %run_scoped3A = tpu.sem_alloc : memref<!tpu.dma_semaphore, #tpu.memory_space<semaphore_mem>>
      %dma_start3A_61 = arith.constant 0 : i32
      %dma_start3A_62 = tpu.memref_slice %arg10[%add3A_20, %dma_start3A_61] : memref<10240x128xf32, #tpu.memory_space<vmem_shared>> -> memref<128x128xf32, #tpu.memory_space<vmem_shared>>
      %dma_start3A_63 = arith.constant 0 : i32
      %dma_start3A_64 = tpu.memref_slice %arg10[%add3A_20, %dma_start3A_63] : memref<10240x128xf32, #tpu.memory_space<vmem_shared>> -> memref<128x128xf32, #tpu.memory_space<vmem_shared>>
      tpu.enqueue_dma source(%arg8 : memref<128x128xf32, #tpu.memory_space<vmem>>) target(%dma_start3A_64 : memref<128x128xf32, #tpu.memory_space<vmem_shared>>) target_semaphore(%run_scoped3A : memref<!tpu.dma_semaphore, #tpu.memory_space<semaphore_mem>>)
      %dma_wait3A = arith.constant 0 : i32
      %dma_wait3A_65 = tpu.memref_slice %arg10[%add3A_20, %dma_wait3A] : memref<10240x128xf32, #tpu.memory_space<vmem_shared>> -> memref<128x128xf32, #tpu.memory_space<vmem_shared>>
      %dma_wait3A_66 = arith.constant 0 : i32
      %dma_wait3A_67 = tpu.memref_slice %arg10[%add3A_20, %dma_wait3A_66] : memref<10240x128xf32, #tpu.memory_space<vmem_shared>> -> memref<128x128xf32, #tpu.memory_space<vmem_shared>>
      tpu.wait_dma2 semaphore(%run_scoped3A : memref<!tpu.dma_semaphore, #tpu.memory_space<semaphore_mem>>) src(%arg8 : memref<128x128xf32, #tpu.memory_space<vmem>>) dst(%dma_wait3A_67 : memref<128x128xf32, #tpu.memory_space<vmem_shared>>)
      tpu.yield
    }) : () -> ()
    %mul3A_21 = arith.constant 640 : i32
    %mul3A_22 = arith.muli %mul3A_21, %arg1 : i32
    %add3A_23 = arith.constant 512 : i32
    %add3A_24 = arith.addi %mul3A_22, %add3A_23 : i32
    "tpu.region"() ({
      %run_scoped3A = tpu.sem_alloc : memref<!tpu.dma_semaphore, #tpu.memory_space<semaphore_mem>>
      %dma_start3A_61 = arith.constant 0 : i32
      %dma_start3A_62 = tpu.memref_slice %arg10[%add3A_24, %dma_start3A_61] : memref<10240x128xf32, #tpu.memory_space<vmem_shared>> -> memref<128x128xf32, #tpu.memory_space<vmem_shared>>
      %dma_start3A_63 = arith.constant 0 : i32
      %dma_start3A_64 = tpu.memref_slice %arg10[%add3A_24, %dma_start3A_63] : memref<10240x128xf32, #tpu.memory_space<vmem_shared>> -> memref<128x128xf32, #tpu.memory_space<vmem_shared>>
      tpu.enqueue_dma source(%arg8 : memref<128x128xf32, #tpu.memory_space<vmem>>) target(%dma_start3A_64 : memref<128x128xf32, #tpu.memory_space<vmem_shared>>) target_semaphore(%run_scoped3A : memref<!tpu.dma_semaphore, #tpu.memory_space<semaphore_mem>>)
      %dma_wait3A = arith.constant 0 : i32
      %dma_wait3A_65 = tpu.memref_slice %arg10[%add3A_24, %dma_wait3A] : memref<10240x128xf32, #tpu.memory_space<vmem_shared>> -> memref<128x128xf32, #tpu.memory_space<vmem_shared>>
      %dma_wait3A_66 = arith.constant 0 : i32
      %dma_wait3A_67 = tpu.memref_slice %arg10[%add3A_24, %dma_wait3A_66] : memref<10240x128xf32, #tpu.memory_space<vmem_shared>> -> memref<128x128xf32, #tpu.memory_space<vmem_shared>>
      tpu.wait_dma2 semaphore(%run_scoped3A : memref<!tpu.dma_semaphore, #tpu.memory_space<semaphore_mem>>) src(%arg8 : memref<128x128xf32, #tpu.memory_space<vmem>>) dst(%dma_wait3A_67 : memref<128x128xf32, #tpu.memory_space<vmem_shared>>)
      tpu.yield
    }) : () -> ()
    %barrier3A = arith.constant 0 : index
    tpu.barrier barrier_id(%barrier3A)
    %mul3A_25 = arith.constant 80 : i32
    %mul3A_26 = arith.muli %add3A, %mul3A_25 : i32
    %add3A_27 = arith.constant 0 : i32
    %add3A_28 = arith.addi %mul3A_26, %add3A_27 : i32
    "tpu.region"() ({
      %run_scoped3A = tpu.sem_alloc : memref<!tpu.dma_semaphore, #tpu.memory_space<semaphore_mem>>
      %dma_start3A_61 = arith.constant 0 : i32
      %dma_start3A_62 = tpu.memref_slice %arg3[%add3A_28, %dma_start3A_61] : memref<2560x128xi32, #tpu.memory_space<hbm>> -> memref<40x128xi32, #tpu.memory_space<hbm>>
      %dma_start3A_63 = arith.constant 0 : i32
      %dma_start3A_64 = tpu.memref_slice %arg3[%add3A_28, %dma_start3A_63] : memref<2560x128xi32, #tpu.memory_space<hbm>> -> memref<40x128xi32, #tpu.memory_space<hbm>>
      tpu.enqueue_dma source(%dma_start3A_64 : memref<40x128xi32, #tpu.memory_space<hbm>>) target(%arg6 : memref<40x128xi32, #tpu.memory_space<vmem>>) target_semaphore(%run_scoped3A : memref<!tpu.dma_semaphore, #tpu.memory_space<semaphore_mem>>)
      %dma_wait3A = arith.constant 0 : i32
      %dma_wait3A_65 = tpu.memref_slice %arg3[%add3A_28, %dma_wait3A] : memref<2560x128xi32, #tpu.memory_space<hbm>> -> memref<40x128xi32, #tpu.memory_space<hbm>>
      %dma_wait3A_66 = arith.constant 0 : i32
      %dma_wait3A_67 = tpu.memref_slice %arg3[%add3A_28, %dma_wait3A_66] : memref<2560x128xi32, #tpu.memory_space<hbm>> -> memref<40x128xi32, #tpu.memory_space<hbm>>
      tpu.wait_dma2 semaphore(%run_scoped3A : memref<!tpu.dma_semaphore, #tpu.memory_space<semaphore_mem>>) src(%dma_wait3A_67 : memref<40x128xi32, #tpu.memory_space<hbm>>) dst(%arg6 : memref<40x128xi32, #tpu.memory_space<vmem>>)
      tpu.yield
    }) : () -> ()
    "tpu.region"() ({
      %run_scoped3A = tpu.sem_alloc : memref<!tpu.dma_semaphore, #tpu.memory_space<semaphore_mem>>
      %dma_start3A_61 = arith.constant 0 : i32
      %dma_start3A_62 = tpu.memref_slice %arg4[%add3A_28, %dma_start3A_61] : memref<2560x128xi32, #tpu.memory_space<hbm>> -> memref<40x128xi32, #tpu.memory_space<hbm>>
      %dma_start3A_63 = arith.constant 0 : i32
      %dma_start3A_64 = tpu.memref_slice %arg4[%add3A_28, %dma_start3A_63] : memref<2560x128xi32, #tpu.memory_space<hbm>> -> memref<40x128xi32, #tpu.memory_space<hbm>>
      tpu.enqueue_dma source(%dma_start3A_64 : memref<40x128xi32, #tpu.memory_space<hbm>>) target(%arg7 : memref<40x128xi32, #tpu.memory_space<vmem>>) target_semaphore(%run_scoped3A : memref<!tpu.dma_semaphore, #tpu.memory_space<semaphore_mem>>)
      %dma_wait3A = arith.constant 0 : i32
      %dma_wait3A_65 = tpu.memref_slice %arg4[%add3A_28, %dma_wait3A] : memref<2560x128xi32, #tpu.memory_space<hbm>> -> memref<40x128xi32, #tpu.memory_space<hbm>>
      %dma_wait3A_66 = arith.constant 0 : i32
      %dma_wait3A_67 = tpu.memref_slice %arg4[%add3A_28, %dma_wait3A_66] : memref<2560x128xi32, #tpu.memory_space<hbm>> -> memref<40x128xi32, #tpu.memory_space<hbm>>
      tpu.wait_dma2 semaphore(%run_scoped3A : memref<!tpu.dma_semaphore, #tpu.memory_space<semaphore_mem>>) src(%dma_wait3A_67 : memref<40x128xi32, #tpu.memory_space<hbm>>) dst(%arg7 : memref<40x128xi32, #tpu.memory_space<vmem>>)
      tpu.yield
    }) : () -> ()
    %dma_start3A = arith.constant 0 : i32
    %dma_start3A_29 = arith.constant 0 : i32
    %dma_start3A_30 = tpu.memref_slice %arg6[%dma_start3A, %dma_start3A_29] : memref<40x128xi32, #tpu.memory_space<vmem>> -> memref<1x128xi32, #tpu.memory_space<vmem>>
    %dma_start3A_31 = tpu.memref_squeeze %dma_start3A_30 : memref<1x128xi32, #tpu.memory_space<vmem>> -> memref<128xi32, #tpu.memory_space<vmem>>
    %dma_start3A_32 = arith.constant 0 : i32
    %dma_start3A_33 = arith.constant 0 : i32
    %dma_start3A_34 = tpu.memref_slice %arg2[%dma_start3A_32, %dma_start3A_33] : memref<10000x128xf32, #tpu.memory_space<hbm>> -> memref<10000x128xf32, #tpu.memory_space<hbm>>
    tpu.enqueue_indirect_dma source(%dma_start3A_34 : memref<10000x128xf32, #tpu.memory_space<hbm>>) target(%arg8 : memref<128x128xf32, #tpu.memory_space<vmem>>) offsets(%dma_start3A_31 : memref<128xi32, #tpu.memory_space<vmem>>) semaphore(%arg11 : memref<!tpu.dma_semaphore, #tpu.memory_space<semaphore_mem>>)
    %scan3A_35 = arith.constant 0 : i32
    %scan3A_36 = arith.constant 20 : i32
    %scan3A_37 = arith.addi %scan3A_35, %scan3A_36 : i32
    %scan3A_38 = arith.constant 1 : i32
    scf.for %scan3A_61 = %scan3A_35 to %scan3A_37 step %scan3A_38  : i32 {
      %mul3A_62 = arith.constant 1 : i32
      %mul3A_63 = arith.muli %scan3A_61, %mul3A_62 : i32
      %add3A_64 = arith.constant 0 : i32
      %add3A_65 = arith.addi %add3A_64, %mul3A_63 : i32
      %dma_wait3A = arith.constant 0 : i32
      %dma_wait3A_66 = arith.constant 0 : i32
      %dma_wait3A_67 = tpu.memref_slice %arg6[%dma_wait3A, %dma_wait3A_66] : memref<40x128xi32, #tpu.memory_space<vmem>> -> memref<1x128xi32, #tpu.memory_space<vmem>>
      %dma_wait3A_68 = tpu.memref_squeeze %dma_wait3A_67 : memref<1x128xi32, #tpu.memory_space<vmem>> -> memref<128xi32, #tpu.memory_space<vmem>>
      %dma_wait3A_69 = arith.constant 0 : i32
      %dma_wait3A_70 = arith.constant 0 : i32
      %dma_wait3A_71 = tpu.memref_slice %arg2[%dma_wait3A_69, %dma_wait3A_70] : memref<10000x128xf32, #tpu.memory_space<hbm>> -> memref<10000x128xf32, #tpu.memory_space<hbm>>
      tpu.wait_indirect_dma semaphore(%arg11 : memref<!tpu.dma_semaphore, #tpu.memory_space<semaphore_mem>>) src(%dma_wait3A_71 : memref<10000x128xf32, #tpu.memory_space<hbm>>) dst(%arg8 : memref<128x128xf32, #tpu.memory_space<vmem>>)
      %mul3A_72 = arith.constant 2 : i32
      %mul3A_73 = arith.muli %mul3A_72, %add3A_65 : i32
      %add3A_74 = arith.constant 1 : i32
      %add3A_75 = arith.addi %mul3A_73, %add3A_74 : i32
      %dma_start3A_76 = arith.constant 0 : i32
      %dma_start3A_77 = tpu.memref_slice %arg6[%add3A_75, %dma_start3A_76] : memref<40x128xi32, #tpu.memory_space<vmem>> -> memref<1x128xi32, #tpu.memory_space<vmem>>
      %dma_start3A_78 = tpu.memref_squeeze %dma_start3A_77 : memref<1x128xi32, #tpu.memory_space<vmem>> -> memref<128xi32, #tpu.memory_space<vmem>>
      %dma_start3A_79 = arith.constant 0 : i32
      %dma_start3A_80 = arith.constant 0 : i32
      %dma_start3A_81 = tpu.memref_slice %arg2[%dma_start3A_79, %dma_start3A_80] : memref<10000x128xf32, #tpu.memory_space<hbm>> -> memref<10000x128xf32, #tpu.memory_space<hbm>>
      tpu.enqueue_indirect_dma source(%dma_start3A_81 : memref<10000x128xf32, #tpu.memory_space<hbm>>) target(%arg9 : memref<128x128xf32, #tpu.memory_space<vmem>>) offsets(%dma_start3A_78 : memref<128xi32, #tpu.memory_space<vmem>>) semaphore(%arg12 : memref<!tpu.dma_semaphore, #tpu.memory_space<semaphore_mem>>)
      %mul3A_82 = arith.constant 2 : i32
      %mul3A_83 = arith.muli %mul3A_82, %add3A_65 : i32
      "tpu.region"() ({
        %run_scoped3A = tpu.sem_alloc : memref<!tpu.dma_semaphore, #tpu.memory_space<semaphore_mem>>
        %dma_start3A_97 = arith.constant 0 : i32
        %dma_start3A_98 = tpu.memref_slice %arg7[%mul3A_83, %dma_start3A_97] : memref<40x128xi32, #tpu.memory_space<vmem>> -> memref<1x128xi32, #tpu.memory_space<vmem>>
        %dma_start3A_99 = tpu.memref_squeeze %dma_start3A_98 : memref<1x128xi32, #tpu.memory_space<vmem>> -> memref<128xi32, #tpu.memory_space<vmem>>
        %dma_start3A_100 = arith.constant 0 : i32
        %dma_start3A_101 = arith.constant 0 : i32
        %dma_start3A_102 = tpu.memref_slice %arg10[%dma_start3A_100, %dma_start3A_101] : memref<10240x128xf32, #tpu.memory_space<vmem_shared>> -> memref<10240x128xf32, #tpu.memory_space<vmem_shared>>
        tpu.enqueue_indirect_dma source(%arg8 : memref<128x128xf32, #tpu.memory_space<vmem>>) target(%dma_start3A_102 : memref<10240x128xf32, #tpu.memory_space<vmem_shared>>) offsets(%dma_start3A_99 : memref<128xi32, #tpu.memory_space<vmem>>) semaphore(%run_scoped3A : memref<!tpu.dma_semaphore, #tpu.memory_space<semaphore_mem>>) {add = true}
        %dma_wait3A_103 = arith.constant 0 : i32
        %dma_wait3A_104 = tpu.memref_slice %arg7[%mul3A_83, %dma_wait3A_103] : memref<40x128xi32, #tpu.memory_space<vmem>> -> memref<1x128xi32, #tpu.memory_space<vmem>>
        %dma_wait3A_105 = tpu.memref_squeeze %dma_wait3A_104 : memref<1x128xi32, #tpu.memory_space<vmem>> -> memref<128xi32, #tpu.memory_space<vmem>>
        %dma_wait3A_106 = arith.constant 0 : i32
        %dma_wait3A_107 = arith.constant 0 : i32
        %dma_wait3A_108 = tpu.memref_slice %arg10[%dma_wait3A_106, %dma_wait3A_107] : memref<10240x128xf32, #tpu.memory_space<vmem_shared>> -> memref<10240x128xf32, #tpu.memory_space<vmem_shared>>
        tpu.wait_indirect_dma semaphore(%run_scoped3A : memref<!tpu.dma_semaphore, #tpu.memory_space<semaphore_mem>>) src(%arg8 : memref<128x128xf32, #tpu.memory_space<vmem>>) dst(%dma_wait3A_108 : memref<10240x128xf32, #tpu.memory_space<vmem_shared>>)
        tpu.yield
      }) : () -> ()
      %dma_wait3A_84 = arith.constant 0 : i32
      %dma_wait3A_85 = arith.constant 0 : i32
      %dma_wait3A_86 = tpu.memref_slice %arg6[%dma_wait3A_84, %dma_wait3A_85] : memref<40x128xi32, #tpu.memory_space<vmem>> -> memref<1x128xi32, #tpu.memory_space<vmem>>
      %dma_wait3A_87 = tpu.memref_squeeze %dma_wait3A_86 : memref<1x128xi32, #tpu.memory_space<vmem>> -> memref<128xi32, #tpu.memory_space<vmem>>
      %dma_wait3A_88 = arith.constant 0 : i32
      %dma_wait3A_89 = arith.constant 0 : i32
      %dma_wait3A_90 = tpu.memref_slice %arg2[%dma_wait3A_88, %dma_wait3A_89] : memref<10000x128xf32, #tpu.memory_space<hbm>> -> memref<10000x128xf32, #tpu.memory_space<hbm>>
      tpu.wait_indirect_dma semaphore(%arg12 : memref<!tpu.dma_semaphore, #tpu.memory_space<semaphore_mem>>) src(%dma_wait3A_90 : memref<10000x128xf32, #tpu.memory_space<hbm>>) dst(%arg9 : memref<128x128xf32, #tpu.memory_space<vmem>>)
      %lt3A = arith.constant 19 : i32
      %lt3A_91 = arith.cmpi slt, %add3A_65, %lt3A : i32
      %convert_element_type3A = arith.extui %lt3A_91 : i1 to i32
      %cond3A = arith.constant 0 : i32
      %cond3A_92 = arith.cmpi ne, %convert_element_type3A, %cond3A : i32
      scf.if %cond3A_92 {
        %mul3A_97 = arith.constant 2 : i32
        %mul3A_98 = arith.muli %mul3A_97, %add3A_65 : i32
        %add3A_99 = arith.constant 2 : i32
        %add3A_100 = arith.addi %mul3A_98, %add3A_99 : i32
        %dma_start3A_101 = arith.constant 0 : i32
        %dma_start3A_102 = tpu.memref_slice %arg6[%add3A_100, %dma_start3A_101] : memref<40x128xi32, #tpu.memory_space<vmem>> -> memref<1x128xi32, #tpu.memory_space<vmem>>
        %dma_start3A_103 = tpu.memref_squeeze %dma_start3A_102 : memref<1x128xi32, #tpu.memory_space<vmem>> -> memref<128xi32, #tpu.memory_space<vmem>>
        %dma_start3A_104 = arith.constant 0 : i32
        %dma_start3A_105 = arith.constant 0 : i32
        %dma_start3A_106 = tpu.memref_slice %arg2[%dma_start3A_104, %dma_start3A_105] : memref<10000x128xf32, #tpu.memory_space<hbm>> -> memref<10000x128xf32, #tpu.memory_space<hbm>>
        tpu.enqueue_indirect_dma source(%dma_start3A_106 : memref<10000x128xf32, #tpu.memory_space<hbm>>) target(%arg8 : memref<128x128xf32, #tpu.memory_space<vmem>>) offsets(%dma_start3A_103 : memref<128xi32, #tpu.memory_space<vmem>>) semaphore(%arg11 : memref<!tpu.dma_semaphore, #tpu.memory_space<semaphore_mem>>)
      } else {
      }
      %mul3A_93 = arith.constant 2 : i32
      %mul3A_94 = arith.muli %mul3A_93, %add3A_65 : i32
      %add3A_95 = arith.constant 1 : i32
      %add3A_96 = arith.addi %mul3A_94, %add3A_95 : i32
      "tpu.region"() ({
        %run_scoped3A = tpu.sem_alloc : memref<!tpu.dma_semaphore, #tpu.memory_space<semaphore_mem>>
        %dma_start3A_97 = arith.constant 0 : i32
        %dma_start3A_98 = tpu.memref_slice %arg7[%add3A_96, %dma_start3A_97] : memref<40x128xi32, #tpu.memory_space<vmem>> -> memref<1x128xi32, #tpu.memory_space<vmem>>
        %dma_start3A_99 = tpu.memref_squeeze %dma_start3A_98 : memref<1x128xi32, #tpu.memory_space<vmem>> -> memref<128xi32, #tpu.memory_space<vmem>>
        %dma_start3A_100 = arith.constant 0 : i32
        %dma_start3A_101 = arith.constant 0 : i32
        %dma_start3A_102 = tpu.memref_slice %arg10[%dma_start3A_100, %dma_start3A_101] : memref<10240x128xf32, #tpu.memory_space<vmem_shared>> -> memref<10240x128xf32, #tpu.memory_space<vmem_shared>>
        tpu.enqueue_indirect_dma source(%arg9 : memref<128x128xf32, #tpu.memory_space<vmem>>) target(%dma_start3A_102 : memref<10240x128xf32, #tpu.memory_space<vmem_shared>>) offsets(%dma_start3A_99 : memref<128xi32, #tpu.memory_space<vmem>>) semaphore(%run_scoped3A : memref<!tpu.dma_semaphore, #tpu.memory_space<semaphore_mem>>) {add = true}
        %dma_wait3A_103 = arith.constant 0 : i32
        %dma_wait3A_104 = tpu.memref_slice %arg7[%add3A_96, %dma_wait3A_103] : memref<40x128xi32, #tpu.memory_space<vmem>> -> memref<1x128xi32, #tpu.memory_space<vmem>>
        %dma_wait3A_105 = tpu.memref_squeeze %dma_wait3A_104 : memref<1x128xi32, #tpu.memory_space<vmem>> -> memref<128xi32, #tpu.memory_space<vmem>>
        %dma_wait3A_106 = arith.constant 0 : i32
        %dma_wait3A_107 = arith.constant 0 : i32
        %dma_wait3A_108 = tpu.memref_slice %arg10[%dma_wait3A_106, %dma_wait3A_107] : memref<10240x128xf32, #tpu.memory_space<vmem_shared>> -> memref<10240x128xf32, #tpu.memory_space<vmem_shared>>
        tpu.wait_indirect_dma semaphore(%run_scoped3A : memref<!tpu.dma_semaphore, #tpu.memory_space<semaphore_mem>>) src(%arg9 : memref<128x128xf32, #tpu.memory_space<vmem>>) dst(%dma_wait3A_108 : memref<10240x128xf32, #tpu.memory_space<vmem_shared>>)
        tpu.yield
      }) : () -> ()
    }
    %scan3A_39 = arith.constant 20 : i32
    %mul3A_40 = arith.constant 80 : i32
    %mul3A_41 = arith.muli %add3A, %mul3A_40 : i32
    %add3A_42 = arith.constant 40 : i32
    %add3A_43 = arith.addi %mul3A_41, %add3A_42 : i32
    "tpu.region"() ({
      %run_scoped3A = tpu.sem_alloc : memref<!tpu.dma_semaphore, #tpu.memory_space<semaphore_mem>>
      %dma_start3A_61 = arith.constant 0 : i32
      %dma_start3A_62 = tpu.memref_slice %arg3[%add3A_43, %dma_start3A_61] : memref<2560x128xi32, #tpu.memory_space<hbm>> -> memref<40x128xi32, #tpu.memory_space<hbm>>
      %dma_start3A_63 = arith.constant 0 : i32
      %dma_start3A_64 = tpu.memref_slice %arg3[%add3A_43, %dma_start3A_63] : memref<2560x128xi32, #tpu.memory_space<hbm>> -> memref<40x128xi32, #tpu.memory_space<hbm>>
      tpu.enqueue_dma source(%dma_start3A_64 : memref<40x128xi32, #tpu.memory_space<hbm>>) target(%arg6 : memref<40x128xi32, #tpu.memory_space<vmem>>) target_semaphore(%run_scoped3A : memref<!tpu.dma_semaphore, #tpu.memory_space<semaphore_mem>>)
      %dma_wait3A = arith.constant 0 : i32
      %dma_wait3A_65 = tpu.memref_slice %arg3[%add3A_43, %dma_wait3A] : memref<2560x128xi32, #tpu.memory_space<hbm>> -> memref<40x128xi32, #tpu.memory_space<hbm>>
      %dma_wait3A_66 = arith.constant 0 : i32
      %dma_wait3A_67 = tpu.memref_slice %arg3[%add3A_43, %dma_wait3A_66] : memref<2560x128xi32, #tpu.memory_space<hbm>> -> memref<40x128xi32, #tpu.memory_space<hbm>>
      tpu.wait_dma2 semaphore(%run_scoped3A : memref<!tpu.dma_semaphore, #tpu.memory_space<semaphore_mem>>) src(%dma_wait3A_67 : memref<40x128xi32, #tpu.memory_space<hbm>>) dst(%arg6 : memref<40x128xi32, #tpu.memory_space<vmem>>)
      tpu.yield
    }) : () -> ()
    "tpu.region"() ({
      %run_scoped3A = tpu.sem_alloc : memref<!tpu.dma_semaphore, #tpu.memory_space<semaphore_mem>>
      %dma_start3A_61 = arith.constant 0 : i32
      %dma_start3A_62 = tpu.memref_slice %arg4[%add3A_43, %dma_start3A_61] : memref<2560x128xi32, #tpu.memory_space<hbm>> -> memref<40x128xi32, #tpu.memory_space<hbm>>
      %dma_start3A_63 = arith.constant 0 : i32
      %dma_start3A_64 = tpu.memref_slice %arg4[%add3A_43, %dma_start3A_63] : memref<2560x128xi32, #tpu.memory_space<hbm>> -> memref<40x128xi32, #tpu.memory_space<hbm>>
      tpu.enqueue_dma source(%dma_start3A_64 : memref<40x128xi32, #tpu.memory_space<hbm>>) target(%arg7 : memref<40x128xi32, #tpu.memory_space<vmem>>) target_semaphore(%run_scoped3A : memref<!tpu.dma_semaphore, #tpu.memory_space<semaphore_mem>>)
      %dma_wait3A = arith.constant 0 : i32
      %dma_wait3A_65 = tpu.memref_slice %arg4[%add3A_43, %dma_wait3A] : memref<2560x128xi32, #tpu.memory_space<hbm>> -> memref<40x128xi32, #tpu.memory_space<hbm>>
      %dma_wait3A_66 = arith.constant 0 : i32
      %dma_wait3A_67 = tpu.memref_slice %arg4[%add3A_43, %dma_wait3A_66] : memref<2560x128xi32, #tpu.memory_space<hbm>> -> memref<40x128xi32, #tpu.memory_space<hbm>>
      tpu.wait_dma2 semaphore(%run_scoped3A : memref<!tpu.dma_semaphore, #tpu.memory_space<semaphore_mem>>) src(%dma_wait3A_67 : memref<40x128xi32, #tpu.memory_space<hbm>>) dst(%arg7 : memref<40x128xi32, #tpu.memory_space<vmem>>)
      tpu.yield
    }) : () -> ()
    %dma_start3A_44 = arith.constant 0 : i32
    %dma_start3A_45 = arith.constant 0 : i32
    %dma_start3A_46 = tpu.memref_slice %arg6[%dma_start3A_44, %dma_start3A_45] : memref<40x128xi32, #tpu.memory_space<vmem>> -> memref<1x128xi32, #tpu.memory_space<vmem>>
    %dma_start3A_47 = tpu.memref_squeeze %dma_start3A_46 : memref<1x128xi32, #tpu.memory_space<vmem>> -> memref<128xi32, #tpu.memory_space<vmem>>
    %dma_start3A_48 = arith.constant 0 : i32
    %dma_start3A_49 = arith.constant 0 : i32
    %dma_start3A_50 = tpu.memref_slice %arg2[%dma_start3A_48, %dma_start3A_49] : memref<10000x128xf32, #tpu.memory_space<hbm>> -> memref<10000x128xf32, #tpu.memory_space<hbm>>
    tpu.enqueue_indirect_dma source(%dma_start3A_50 : memref<10000x128xf32, #tpu.memory_space<hbm>>) target(%arg8 : memref<128x128xf32, #tpu.memory_space<vmem>>) offsets(%dma_start3A_47 : memref<128xi32, #tpu.memory_space<vmem>>) semaphore(%arg11 : memref<!tpu.dma_semaphore, #tpu.memory_space<semaphore_mem>>)
    %scan3A_51 = arith.constant 0 : i32
    %scan3A_52 = arith.constant 20 : i32
    %scan3A_53 = arith.addi %scan3A_51, %scan3A_52 : i32
    %scan3A_54 = arith.constant 1 : i32
    scf.for %scan3A_61 = %scan3A_51 to %scan3A_53 step %scan3A_54  : i32 {
      %mul3A_62 = arith.constant 1 : i32
      %mul3A_63 = arith.muli %scan3A_61, %mul3A_62 : i32
      %add3A_64 = arith.constant 0 : i32
      %add3A_65 = arith.addi %add3A_64, %mul3A_63 : i32
      %dma_wait3A = arith.constant 0 : i32
      %dma_wait3A_66 = arith.constant 0 : i32
      %dma_wait3A_67 = tpu.memref_slice %arg6[%dma_wait3A, %dma_wait3A_66] : memref<40x128xi32, #tpu.memory_space<vmem>> -> memref<1x128xi32, #tpu.memory_space<vmem>>
      %dma_wait3A_68 = tpu.memref_squeeze %dma_wait3A_67 : memref<1x128xi32, #tpu.memory_space<vmem>> -> memref<128xi32, #tpu.memory_space<vmem>>
      %dma_wait3A_69 = arith.constant 0 : i32
      %dma_wait3A_70 = arith.constant 0 : i32
      %dma_wait3A_71 = tpu.memref_slice %arg2[%dma_wait3A_69, %dma_wait3A_70] : memref<10000x128xf32, #tpu.memory_space<hbm>> -> memref<10000x128xf32, #tpu.memory_space<hbm>>
      tpu.wait_indirect_dma semaphore(%arg11 : memref<!tpu.dma_semaphore, #tpu.memory_space<semaphore_mem>>) src(%dma_wait3A_71 : memref<10000x128xf32, #tpu.memory_space<hbm>>) dst(%arg8 : memref<128x128xf32, #tpu.memory_space<vmem>>)
      %mul3A_72 = arith.constant 2 : i32
      %mul3A_73 = arith.muli %mul3A_72, %add3A_65 : i32
      %add3A_74 = arith.constant 1 : i32
      %add3A_75 = arith.addi %mul3A_73, %add3A_74 : i32
      %dma_start3A_76 = arith.constant 0 : i32
      %dma_start3A_77 = tpu.memref_slice %arg6[%add3A_75, %dma_start3A_76] : memref<40x128xi32, #tpu.memory_space<vmem>> -> memref<1x128xi32, #tpu.memory_space<vmem>>
      %dma_start3A_78 = tpu.memref_squeeze %dma_start3A_77 : memref<1x128xi32, #tpu.memory_space<vmem>> -> memref<128xi32, #tpu.memory_space<vmem>>
      %dma_start3A_79 = arith.constant 0 : i32
      %dma_start3A_80 = arith.constant 0 : i32
      %dma_start3A_81 = tpu.memref_slice %arg2[%dma_start3A_79, %dma_start3A_80] : memref<10000x128xf32, #tpu.memory_space<hbm>> -> memref<10000x128xf32, #tpu.memory_space<hbm>>
      tpu.enqueue_indirect_dma source(%dma_start3A_81 : memref<10000x128xf32, #tpu.memory_space<hbm>>) target(%arg9 : memref<128x128xf32, #tpu.memory_space<vmem>>) offsets(%dma_start3A_78 : memref<128xi32, #tpu.memory_space<vmem>>) semaphore(%arg12 : memref<!tpu.dma_semaphore, #tpu.memory_space<semaphore_mem>>)
      %mul3A_82 = arith.constant 2 : i32
      %mul3A_83 = arith.muli %mul3A_82, %add3A_65 : i32
      "tpu.region"() ({
        %run_scoped3A = tpu.sem_alloc : memref<!tpu.dma_semaphore, #tpu.memory_space<semaphore_mem>>
        %dma_start3A_97 = arith.constant 0 : i32
        %dma_start3A_98 = tpu.memref_slice %arg7[%mul3A_83, %dma_start3A_97] : memref<40x128xi32, #tpu.memory_space<vmem>> -> memref<1x128xi32, #tpu.memory_space<vmem>>
        %dma_start3A_99 = tpu.memref_squeeze %dma_start3A_98 : memref<1x128xi32, #tpu.memory_space<vmem>> -> memref<128xi32, #tpu.memory_space<vmem>>
        %dma_start3A_100 = arith.constant 0 : i32
        %dma_start3A_101 = arith.constant 0 : i32
        %dma_start3A_102 = tpu.memref_slice %arg10[%dma_start3A_100, %dma_start3A_101] : memref<10240x128xf32, #tpu.memory_space<vmem_shared>> -> memref<10240x128xf32, #tpu.memory_space<vmem_shared>>
        tpu.enqueue_indirect_dma source(%arg8 : memref<128x128xf32, #tpu.memory_space<vmem>>) target(%dma_start3A_102 : memref<10240x128xf32, #tpu.memory_space<vmem_shared>>) offsets(%dma_start3A_99 : memref<128xi32, #tpu.memory_space<vmem>>) semaphore(%run_scoped3A : memref<!tpu.dma_semaphore, #tpu.memory_space<semaphore_mem>>) {add = true}
        %dma_wait3A_103 = arith.constant 0 : i32
        %dma_wait3A_104 = tpu.memref_slice %arg7[%mul3A_83, %dma_wait3A_103] : memref<40x128xi32, #tpu.memory_space<vmem>> -> memref<1x128xi32, #tpu.memory_space<vmem>>
        %dma_wait3A_105 = tpu.memref_squeeze %dma_wait3A_104 : memref<1x128xi32, #tpu.memory_space<vmem>> -> memref<128xi32, #tpu.memory_space<vmem>>
        %dma_wait3A_106 = arith.constant 0 : i32
        %dma_wait3A_107 = arith.constant 0 : i32
        %dma_wait3A_108 = tpu.memref_slice %arg10[%dma_wait3A_106, %dma_wait3A_107] : memref<10240x128xf32, #tpu.memory_space<vmem_shared>> -> memref<10240x128xf32, #tpu.memory_space<vmem_shared>>
        tpu.wait_indirect_dma semaphore(%run_scoped3A : memref<!tpu.dma_semaphore, #tpu.memory_space<semaphore_mem>>) src(%arg8 : memref<128x128xf32, #tpu.memory_space<vmem>>) dst(%dma_wait3A_108 : memref<10240x128xf32, #tpu.memory_space<vmem_shared>>)
        tpu.yield
      }) : () -> ()
      %dma_wait3A_84 = arith.constant 0 : i32
      %dma_wait3A_85 = arith.constant 0 : i32
      %dma_wait3A_86 = tpu.memref_slice %arg6[%dma_wait3A_84, %dma_wait3A_85] : memref<40x128xi32, #tpu.memory_space<vmem>> -> memref<1x128xi32, #tpu.memory_space<vmem>>
      %dma_wait3A_87 = tpu.memref_squeeze %dma_wait3A_86 : memref<1x128xi32, #tpu.memory_space<vmem>> -> memref<128xi32, #tpu.memory_space<vmem>>
      %dma_wait3A_88 = arith.constant 0 : i32
      %dma_wait3A_89 = arith.constant 0 : i32
      %dma_wait3A_90 = tpu.memref_slice %arg2[%dma_wait3A_88, %dma_wait3A_89] : memref<10000x128xf32, #tpu.memory_space<hbm>> -> memref<10000x128xf32, #tpu.memory_space<hbm>>
      tpu.wait_indirect_dma semaphore(%arg12 : memref<!tpu.dma_semaphore, #tpu.memory_space<semaphore_mem>>) src(%dma_wait3A_90 : memref<10000x128xf32, #tpu.memory_space<hbm>>) dst(%arg9 : memref<128x128xf32, #tpu.memory_space<vmem>>)
      %lt3A = arith.constant 19 : i32
      %lt3A_91 = arith.cmpi slt, %add3A_65, %lt3A : i32
      %convert_element_type3A = arith.extui %lt3A_91 : i1 to i32
      %cond3A = arith.constant 0 : i32
      %cond3A_92 = arith.cmpi ne, %convert_element_type3A, %cond3A : i32
      scf.if %cond3A_92 {
        %mul3A_97 = arith.constant 2 : i32
        %mul3A_98 = arith.muli %mul3A_97, %add3A_65 : i32
        %add3A_99 = arith.constant 2 : i32
        %add3A_100 = arith.addi %mul3A_98, %add3A_99 : i32
        %dma_start3A_101 = arith.constant 0 : i32
        %dma_start3A_102 = tpu.memref_slice %arg6[%add3A_100, %dma_start3A_101] : memref<40x128xi32, #tpu.memory_space<vmem>> -> memref<1x128xi32, #tpu.memory_space<vmem>>
        %dma_start3A_103 = tpu.memref_squeeze %dma_start3A_102 : memref<1x128xi32, #tpu.memory_space<vmem>> -> memref<128xi32, #tpu.memory_space<vmem>>
        %dma_start3A_104 = arith.constant 0 : i32
        %dma_start3A_105 = arith.constant 0 : i32
        %dma_start3A_106 = tpu.memref_slice %arg2[%dma_start3A_104, %dma_start3A_105] : memref<10000x128xf32, #tpu.memory_space<hbm>> -> memref<10000x128xf32, #tpu.memory_space<hbm>>
        tpu.enqueue_indirect_dma source(%dma_start3A_106 : memref<10000x128xf32, #tpu.memory_space<hbm>>) target(%arg8 : memref<128x128xf32, #tpu.memory_space<vmem>>) offsets(%dma_start3A_103 : memref<128xi32, #tpu.memory_space<vmem>>) semaphore(%arg11 : memref<!tpu.dma_semaphore, #tpu.memory_space<semaphore_mem>>)
      } else {
      }
      %mul3A_93 = arith.constant 2 : i32
      %mul3A_94 = arith.muli %mul3A_93, %add3A_65 : i32
      %add3A_95 = arith.constant 1 : i32
      %add3A_96 = arith.addi %mul3A_94, %add3A_95 : i32
      "tpu.region"() ({
        %run_scoped3A = tpu.sem_alloc : memref<!tpu.dma_semaphore, #tpu.memory_space<semaphore_mem>>
        %dma_start3A_97 = arith.constant 0 : i32
        %dma_start3A_98 = tpu.memref_slice %arg7[%add3A_96, %dma_start3A_97] : memref<40x128xi32, #tpu.memory_space<vmem>> -> memref<1x128xi32, #tpu.memory_space<vmem>>
        %dma_start3A_99 = tpu.memref_squeeze %dma_start3A_98 : memref<1x128xi32, #tpu.memory_space<vmem>> -> memref<128xi32, #tpu.memory_space<vmem>>
        %dma_start3A_100 = arith.constant 0 : i32
        %dma_start3A_101 = arith.constant 0 : i32
        %dma_start3A_102 = tpu.memref_slice %arg10[%dma_start3A_100, %dma_start3A_101] : memref<10240x128xf32, #tpu.memory_space<vmem_shared>> -> memref<10240x128xf32, #tpu.memory_space<vmem_shared>>
        tpu.enqueue_indirect_dma source(%arg9 : memref<128x128xf32, #tpu.memory_space<vmem>>) target(%dma_start3A_102 : memref<10240x128xf32, #tpu.memory_space<vmem_shared>>) offsets(%dma_start3A_99 : memref<128xi32, #tpu.memory_space<vmem>>) semaphore(%run_scoped3A : memref<!tpu.dma_semaphore, #tpu.memory_space<semaphore_mem>>) {add = true}
        %dma_wait3A_103 = arith.constant 0 : i32
        %dma_wait3A_104 = tpu.memref_slice %arg7[%add3A_96, %dma_wait3A_103] : memref<40x128xi32, #tpu.memory_space<vmem>> -> memref<1x128xi32, #tpu.memory_space<vmem>>
        %dma_wait3A_105 = tpu.memref_squeeze %dma_wait3A_104 : memref<1x128xi32, #tpu.memory_space<vmem>> -> memref<128xi32, #tpu.memory_space<vmem>>
        %dma_wait3A_106 = arith.constant 0 : i32
        %dma_wait3A_107 = arith.constant 0 : i32
        %dma_wait3A_108 = tpu.memref_slice %arg10[%dma_wait3A_106, %dma_wait3A_107] : memref<10240x128xf32, #tpu.memory_space<vmem_shared>> -> memref<10240x128xf32, #tpu.memory_space<vmem_shared>>
        tpu.wait_indirect_dma semaphore(%run_scoped3A : memref<!tpu.dma_semaphore, #tpu.memory_space<semaphore_mem>>) src(%arg9 : memref<128x128xf32, #tpu.memory_space<vmem>>) dst(%dma_wait3A_108 : memref<10240x128xf32, #tpu.memory_space<vmem_shared>>)
        tpu.yield
      }) : () -> ()
    }
    %scan3A_55 = arith.constant 20 : i32
    %barrier3A_56 = arith.constant 0 : index
    tpu.barrier barrier_id(%barrier3A_56)
    %mul3A_57 = arith.constant 640 : i32
    %mul3A_58 = arith.muli %mul3A_57, %arg1 : i32
    %mul3A_59 = arith.constant 640 : i32
    %mul3A_60 = arith.muli %mul3A_59, %arg1 : i32
    "tpu.region"() ({
      %run_scoped3A = tpu.sem_alloc : memref<!tpu.dma_semaphore, #tpu.memory_space<semaphore_mem>>
      %dma_start3A_61 = arith.constant 0 : i32
      %dma_start3A_62 = tpu.memref_slice %arg5[%arg0, %mul3A_60, %dma_start3A_61] : memref<2x10240x128xf32, #tpu.memory_space<hbm>> -> memref<1x640x128xf32, #tpu.memory_space<hbm>>
      %dma_start3A_63 = tpu.memref_squeeze %dma_start3A_62 : memref<1x640x128xf32, #tpu.memory_space<hbm>> -> memref<640x128xf32, #tpu.memory_space<hbm>>
      %dma_start3A_64 = arith.constant 0 : i32
      %dma_start3A_65 = tpu.memref_slice %arg10[%mul3A_58, %dma_start3A_64] : memref<10240x128xf32, #tpu.memory_space<vmem_shared>> -> memref<640x128xf32, #tpu.memory_space<vmem_shared>>
      tpu.enqueue_dma source(%dma_start3A_65 : memref<640x128xf32, #tpu.memory_space<vmem_shared>>) target(%dma_start3A_63 : memref<640x128xf32, #tpu.memory_space<hbm>>) target_semaphore(%run_scoped3A : memref<!tpu.dma_semaphore, #tpu.memory_space<semaphore_mem>>)
      %dma_wait3A = arith.constant 0 : i32
      %dma_wait3A_66 = tpu.memref_slice %arg5[%arg0, %mul3A_60, %dma_wait3A] : memref<2x10240x128xf32, #tpu.memory_space<hbm>> -> memref<1x640x128xf32, #tpu.memory_space<hbm>>
      %dma_wait3A_67 = tpu.memref_squeeze %dma_wait3A_66 : memref<1x640x128xf32, #tpu.memory_space<hbm>> -> memref<640x128xf32, #tpu.memory_space<hbm>>
      %dma_wait3A_68 = arith.constant 0 : i32
      %dma_wait3A_69 = tpu.memref_slice %arg10[%mul3A_58, %dma_wait3A_68] : memref<10240x128xf32, #tpu.memory_space<vmem_shared>> -> memref<640x128xf32, #tpu.memory_space<vmem_shared>>
      tpu.wait_dma2 semaphore(%run_scoped3A : memref<!tpu.dma_semaphore, #tpu.memory_space<semaphore_mem>>) src(%dma_wait3A_69 : memref<640x128xf32, #tpu.memory_space<vmem_shared>>) dst(%dma_wait3A_67 : memref<640x128xf32, #tpu.memory_space<hbm>>)
      tpu.yield
    }) : () -> ()
    return
  }
}

#map = affine_map<(d0, d1) -> (0, 0)>
#map1 = affine_map<(d0, d1) -> (0, 0, 0)>
module attributes {stable_mosaic.version = 14 : i64} {
  func.func @_agg_body(%arg0: i32, %arg1: i32, %arg2: memref<10000x128xf32, #tpu.memory_space<hbm>>, %arg3: memref<2560x128xi32, #tpu.memory_space<hbm>>, %arg4: memref<2560x128xi32, #tpu.memory_space<hbm>>, %arg5: memref<2x10240x128xf32, #tpu.memory_space<hbm>>, %arg6: memref<40x128xi32, #tpu.memory_space<vmem>>, %arg7: memref<40x128xi32, #tpu.memory_space<vmem>>, %arg8: memref<128x128xf32, #tpu.memory_space<vmem>>, %arg9: memref<128x128xf32, #tpu.memory_space<vmem>>, %arg10: memref<10240x128xf32, #tpu.memory_space<vmem_shared>>, %arg11: memref<!tpu.dma_semaphore, #tpu.memory_space<semaphore_mem>>, %arg12: memref<!tpu.dma_semaphore, #tpu.memory_space<semaphore_mem>>) attributes {dimension_semantics = [#tpu.dimension_semantics<core_parallel>, #tpu.dimension_semantics<subcore_parallel>], iteration_bounds = array<i64: 2, 16>, scalar_prefetch = 0 : i64, scratch_operands = 7 : i64, tpu.core_type = #tpu.core_type<sc_vector_subcore>, window_params = [{transform_indices = #map}, {transform_indices = #map}, {transform_indices = #map}, {transform_indices = #map1}]} {
    %mul3A = arith.constant 2 : i32
    %mul3A_0 = arith.muli %arg1, %mul3A : i32
    %add3A = arith.addi %mul3A_0, %arg0 : i32
    %scan3A = arith.constant 0 : i32
    %scan3A_1 = arith.constant 128 : i32
    %scan3A_2 = arith.addi %scan3A, %scan3A_1 : i32
    %scan3A_3 = arith.constant 1 : i32
    scf.for %scan3A_61 = %scan3A to %scan3A_2 step %scan3A_3  : i32 {
      %mul3A_62 = arith.constant 1 : i32
      %mul3A_63 = arith.muli %scan3A_61, %mul3A_62 : i32
      %add3A_64 = arith.constant 0 : i32
      %add3A_65 = arith.addi %add3A_64, %mul3A_63 : i32
      %broadcast_in_dim3A = arith.constant 0.000000e+00 : f32
      %broadcast_in_dim3A_66 = vector.broadcast %broadcast_in_dim3A : f32 to vector<16xf32>
      %swap3A = arith.index_cast %add3A_65 : i32 to index
      %swap3A_67 = arith.constant 0 : index
      %swap3A_68 = tpu.vector_load %arg8[%swap3A, %swap3A_67] {strides = array<i32>} : memref<128x128xf32, #tpu.memory_space<vmem>>, vector<1x16xf32>,
      %swap3A_69 = vector.shape_cast %swap3A_68 : vector<1x16xf32> to vector<16xf32>
      %swap3A_70 = vector.shape_cast %broadcast_in_dim3A_66 : vector<16xf32> to vector<1x16xf32>
      tpu.vector_store %arg8[%swap3A, %swap3A_67], %swap3A_70 {strides = array<i32>} : memref<128x128xf32, #tpu.memory_space<vmem>>, vector<1x16xf32>,
      %broadcast_in_dim3A_71 = arith.constant 0.000000e+00 : f32
      %broadcast_in_dim3A_72 = vector.broadcast %broadcast_in_dim3A_71 : f32 to vector<16xf32>
      %swap3A_73 = arith.index_cast %add3A_65 : i32 to index
      %swap3A_74 = arith.constant 16 : index
      %swap3A_75 = tpu.vector_load %arg8[%swap3A_73, %swap3A_74] {strides = array<i32>} : memref<128x128xf32, #tpu.memory_space<vmem>>, vector<1x16xf32>,
      %swap3A_76 = vector.shape_cast %swap3A_75 : vector<1x16xf32> to vector<16xf32>
      %swap3A_77 = vector.shape_cast %broadcast_in_dim3A_72 : vector<16xf32> to vector<1x16xf32>
      tpu.vector_store %arg8[%swap3A_73, %swap3A_74], %swap3A_77 {strides = array<i32>} : memref<128x128xf32, #tpu.memory_space<vmem>>, vector<1x16xf32>,
      %broadcast_in_dim3A_78 = arith.constant 0.000000e+00 : f32
      %broadcast_in_dim3A_79 = vector.broadcast %broadcast_in_dim3A_78 : f32 to vector<16xf32>
      %swap3A_80 = arith.index_cast %add3A_65 : i32 to index
      %swap3A_81 = arith.constant 32 : index
      %swap3A_82 = tpu.vector_load %arg8[%swap3A_80, %swap3A_81] {strides = array<i32>} : memref<128x128xf32, #tpu.memory_space<vmem>>, vector<1x16xf32>,
      %swap3A_83 = vector.shape_cast %swap3A_82 : vector<1x16xf32> to vector<16xf32>
      %swap3A_84 = vector.shape_cast %broadcast_in_dim3A_79 : vector<16xf32> to vector<1x16xf32>
      tpu.vector_store %arg8[%swap3A_80, %swap3A_81], %swap3A_84 {strides = array<i32>} : memref<128x128xf32, #tpu.memory_space<vmem>>, vector<1x16xf32>,
      %broadcast_in_dim3A_85 = arith.constant 0.000000e+00 : f32
      %broadcast_in_dim3A_86 = vector.broadcast %broadcast_in_dim3A_85 : f32 to vector<16xf32>
      %swap3A_87 = arith.index_cast %add3A_65 : i32 to index
      %swap3A_88 = arith.constant 48 : index
      %swap3A_89 = tpu.vector_load %arg8[%swap3A_87, %swap3A_88] {strides = array<i32>} : memref<128x128xf32, #tpu.memory_space<vmem>>, vector<1x16xf32>,
      %swap3A_90 = vector.shape_cast %swap3A_89 : vector<1x16xf32> to vector<16xf32>
      %swap3A_91 = vector.shape_cast %broadcast_in_dim3A_86 : vector<16xf32> to vector<1x16xf32>
      tpu.vector_store %arg8[%swap3A_87, %swap3A_88], %swap3A_91 {strides = array<i32>} : memref<128x128xf32, #tpu.memory_space<vmem>>, vector<1x16xf32>,
      %broadcast_in_dim3A_92 = arith.constant 0.000000e+00 : f32
      %broadcast_in_dim3A_93 = vector.broadcast %broadcast_in_dim3A_92 : f32 to vector<16xf32>
      %swap3A_94 = arith.index_cast %add3A_65 : i32 to index
      %swap3A_95 = arith.constant 64 : index
      %swap3A_96 = tpu.vector_load %arg8[%swap3A_94, %swap3A_95] {strides = array<i32>} : memref<128x128xf32, #tpu.memory_space<vmem>>, vector<1x16xf32>,
      %swap3A_97 = vector.shape_cast %swap3A_96 : vector<1x16xf32> to vector<16xf32>
      %swap3A_98 = vector.shape_cast %broadcast_in_dim3A_93 : vector<16xf32> to vector<1x16xf32>
      tpu.vector_store %arg8[%swap3A_94, %swap3A_95], %swap3A_98 {strides = array<i32>} : memref<128x128xf32, #tpu.memory_space<vmem>>, vector<1x16xf32>,
      %broadcast_in_dim3A_99 = arith.constant 0.000000e+00 : f32
      %broadcast_in_dim3A_100 = vector.broadcast %broadcast_in_dim3A_99 : f32 to vector<16xf32>
      %swap3A_101 = arith.index_cast %add3A_65 : i32 to index
      %swap3A_102 = arith.constant 80 : index
      %swap3A_103 = tpu.vector_load %arg8[%swap3A_101, %swap3A_102] {strides = array<i32>} : memref<128x128xf32, #tpu.memory_space<vmem>>, vector<1x16xf32>,
      %swap3A_104 = vector.shape_cast %swap3A_103 : vector<1x16xf32> to vector<16xf32>
      %swap3A_105 = vector.shape_cast %broadcast_in_dim3A_100 : vector<16xf32> to vector<1x16xf32>
      tpu.vector_store %arg8[%swap3A_101, %swap3A_102], %swap3A_105 {strides = array<i32>} : memref<128x128xf32, #tpu.memory_space<vmem>>, vector<1x16xf32>,
      %broadcast_in_dim3A_106 = arith.constant 0.000000e+00 : f32
      %broadcast_in_dim3A_107 = vector.broadcast %broadcast_in_dim3A_106 : f32 to vector<16xf32>
      %swap3A_108 = arith.index_cast %add3A_65 : i32 to index
      %swap3A_109 = arith.constant 96 : index
      %swap3A_110 = tpu.vector_load %arg8[%swap3A_108, %swap3A_109] {strides = array<i32>} : memref<128x128xf32, #tpu.memory_space<vmem>>, vector<1x16xf32>,
      %swap3A_111 = vector.shape_cast %swap3A_110 : vector<1x16xf32> to vector<16xf32>
      %swap3A_112 = vector.shape_cast %broadcast_in_dim3A_107 : vector<16xf32> to vector<1x16xf32>
      tpu.vector_store %arg8[%swap3A_108, %swap3A_109], %swap3A_112 {strides = array<i32>} : memref<128x128xf32, #tpu.memory_space<vmem>>, vector<1x16xf32>,
      %broadcast_in_dim3A_113 = arith.constant 0.000000e+00 : f32
      %broadcast_in_dim3A_114 = vector.broadcast %broadcast_in_dim3A_113 : f32 to vector<16xf32>
      %swap3A_115 = arith.index_cast %add3A_65 : i32 to index
      %swap3A_116 = arith.constant 112 : index
      %swap3A_117 = tpu.vector_load %arg8[%swap3A_115, %swap3A_116] {strides = array<i32>} : memref<128x128xf32, #tpu.memory_space<vmem>>, vector<1x16xf32>,
      %swap3A_118 = vector.shape_cast %swap3A_117 : vector<1x16xf32> to vector<16xf32>
      %swap3A_119 = vector.shape_cast %broadcast_in_dim3A_114 : vector<16xf32> to vector<1x16xf32>
      tpu.vector_store %arg8[%swap3A_115, %swap3A_116], %swap3A_119 {strides = array<i32>} : memref<128x128xf32, #tpu.memory_space<vmem>>, vector<1x16xf32>,
    }
    %scan3A_4 = arith.constant 128 : i32
    %mul3A_5 = arith.constant 640 : i32
    %mul3A_6 = arith.muli %mul3A_5, %arg1 : i32
    %add3A_7 = arith.constant 0 : i32
    %add3A_8 = arith.addi %mul3A_6, %add3A_7 : i32
    "tpu.region"() ({
      %run_scoped3A = tpu.sem_alloc : memref<!tpu.dma_semaphore, #tpu.memory_space<semaphore_mem>>
      %dma_start3A_61 = arith.constant 0 : i32
      %dma_start3A_62 = tpu.memref_slice %arg10[%add3A_8, %dma_start3A_61] : memref<10240x128xf32, #tpu.memory_space<vmem_shared>> -> memref<128x128xf32, #tpu.memory_space<vmem_shared>>
      %dma_start3A_63 = arith.constant 0 : i32
      %dma_start3A_64 = tpu.memref_slice %arg10[%add3A_8, %dma_start3A_63] : memref<10240x128xf32, #tpu.memory_space<vmem_shared>> -> memref<128x128xf32, #tpu.memory_space<vmem_shared>>
      tpu.enqueue_dma source(%arg8 : memref<128x128xf32, #tpu.memory_space<vmem>>) target(%dma_start3A_64 : memref<128x128xf32, #tpu.memory_space<vmem_shared>>) target_semaphore(%run_scoped3A : memref<!tpu.dma_semaphore, #tpu.memory_space<semaphore_mem>>)
      %dma_wait3A = arith.constant 0 : i32
      %dma_wait3A_65 = tpu.memref_slice %arg10[%add3A_8, %dma_wait3A] : memref<10240x128xf32, #tpu.memory_space<vmem_shared>> -> memref<128x128xf32, #tpu.memory_space<vmem_shared>>
      %dma_wait3A_66 = arith.constant 0 : i32
      %dma_wait3A_67 = tpu.memref_slice %arg10[%add3A_8, %dma_wait3A_66] : memref<10240x128xf32, #tpu.memory_space<vmem_shared>> -> memref<128x128xf32, #tpu.memory_space<vmem_shared>>
      tpu.wait_dma2 semaphore(%run_scoped3A : memref<!tpu.dma_semaphore, #tpu.memory_space<semaphore_mem>>) src(%arg8 : memref<128x128xf32, #tpu.memory_space<vmem>>) dst(%dma_wait3A_67 : memref<128x128xf32, #tpu.memory_space<vmem_shared>>)
      tpu.yield
    }) : () -> ()
    %mul3A_9 = arith.constant 640 : i32
    %mul3A_10 = arith.muli %mul3A_9, %arg1 : i32
    %add3A_11 = arith.constant 128 : i32
    %add3A_12 = arith.addi %mul3A_10, %add3A_11 : i32
    "tpu.region"() ({
      %run_scoped3A = tpu.sem_alloc : memref<!tpu.dma_semaphore, #tpu.memory_space<semaphore_mem>>
      %dma_start3A_61 = arith.constant 0 : i32
      %dma_start3A_62 = tpu.memref_slice %arg10[%add3A_12, %dma_start3A_61] : memref<10240x128xf32, #tpu.memory_space<vmem_shared>> -> memref<128x128xf32, #tpu.memory_space<vmem_shared>>
      %dma_start3A_63 = arith.constant 0 : i32
      %dma_start3A_64 = tpu.memref_slice %arg10[%add3A_12, %dma_start3A_63] : memref<10240x128xf32, #tpu.memory_space<vmem_shared>> -> memref<128x128xf32, #tpu.memory_space<vmem_shared>>
      tpu.enqueue_dma source(%arg8 : memref<128x128xf32, #tpu.memory_space<vmem>>) target(%dma_start3A_64 : memref<128x128xf32, #tpu.memory_space<vmem_shared>>) target_semaphore(%run_scoped3A : memref<!tpu.dma_semaphore, #tpu.memory_space<semaphore_mem>>)
      %dma_wait3A = arith.constant 0 : i32
      %dma_wait3A_65 = tpu.memref_slice %arg10[%add3A_12, %dma_wait3A] : memref<10240x128xf32, #tpu.memory_space<vmem_shared>> -> memref<128x128xf32, #tpu.memory_space<vmem_shared>>
      %dma_wait3A_66 = arith.constant 0 : i32
      %dma_wait3A_67 = tpu.memref_slice %arg10[%add3A_12, %dma_wait3A_66] : memref<10240x128xf32, #tpu.memory_space<vmem_shared>> -> memref<128x128xf32, #tpu.memory_space<vmem_shared>>
      tpu.wait_dma2 semaphore(%run_scoped3A : memref<!tpu.dma_semaphore, #tpu.memory_space<semaphore_mem>>) src(%arg8 : memref<128x128xf32, #tpu.memory_space<vmem>>) dst(%dma_wait3A_67 : memref<128x128xf32, #tpu.memory_space<vmem_shared>>)
      tpu.yield
    }) : () -> ()
    %mul3A_13 = arith.constant 640 : i32
    %mul3A_14 = arith.muli %mul3A_13, %arg1 : i32
    %add3A_15 = arith.constant 256 : i32
    %add3A_16 = arith.addi %mul3A_14, %add3A_15 : i32
    "tpu.region"() ({
      %run_scoped3A = tpu.sem_alloc : memref<!tpu.dma_semaphore, #tpu.memory_space<semaphore_mem>>
      %dma_start3A_61 = arith.constant 0 : i32
      %dma_start3A_62 = tpu.memref_slice %arg10[%add3A_16, %dma_start3A_61] : memref<10240x128xf32, #tpu.memory_space<vmem_shared>> -> memref<128x128xf32, #tpu.memory_space<vmem_shared>>
      %dma_start3A_63 = arith.constant 0 : i32
      %dma_start3A_64 = tpu.memref_slice %arg10[%add3A_16, %dma_start3A_63] : memref<10240x128xf32, #tpu.memory_space<vmem_shared>> -> memref<128x128xf32, #tpu.memory_space<vmem_shared>>
      tpu.enqueue_dma source(%arg8 : memref<128x128xf32, #tpu.memory_space<vmem>>) target(%dma_start3A_64 : memref<128x128xf32, #tpu.memory_space<vmem_shared>>) target_semaphore(%run_scoped3A : memref<!tpu.dma_semaphore, #tpu.memory_space<semaphore_mem>>)
      %dma_wait3A = arith.constant 0 : i32
      %dma_wait3A_65 = tpu.memref_slice %arg10[%add3A_16, %dma_wait3A] : memref<10240x128xf32, #tpu.memory_space<vmem_shared>> -> memref<128x128xf32, #tpu.memory_space<vmem_shared>>
      %dma_wait3A_66 = arith.constant 0 : i32
      %dma_wait3A_67 = tpu.memref_slice %arg10[%add3A_16, %dma_wait3A_66] : memref<10240x128xf32, #tpu.memory_space<vmem_shared>> -> memref<128x128xf32, #tpu.memory_space<vmem_shared>>
      tpu.wait_dma2 semaphore(%run_scoped3A : memref<!tpu.dma_semaphore, #tpu.memory_space<semaphore_mem>>) src(%arg8 : memref<128x128xf32, #tpu.memory_space<vmem>>) dst(%dma_wait3A_67 : memref<128x128xf32, #tpu.memory_space<vmem_shared>>)
      tpu.yield
    }) : () -> ()
    %mul3A_17 = arith.constant 640 : i32
    %mul3A_18 = arith.muli %mul3A_17, %arg1 : i32
    %add3A_19 = arith.constant 384 : i32
    %add3A_20 = arith.addi %mul3A_18, %add3A_19 : i32
    "tpu.region"() ({
      %run_scoped3A = tpu.sem_alloc : memref<!tpu.dma_semaphore, #tpu.memory_space<semaphore_mem>>
      %dma_start3A_61 = arith.constant 0 : i32
      %dma_start3A_62 = tpu.memref_slice %arg10[%add3A_20, %dma_start3A_61] : memref<10240x128xf32, #tpu.memory_space<vmem_shared>> -> memref<128x128xf32, #tpu.memory_space<vmem_shared>>
      %dma_start3A_63 = arith.constant 0 : i32
      %dma_start3A_64 = tpu.memref_slice %arg10[%add3A_20, %dma_start3A_63] : memref<10240x128xf32, #tpu.memory_space<vmem_shared>> -> memref<128x128xf32, #tpu.memory_space<vmem_shared>>
      tpu.enqueue_dma source(%arg8 : memref<128x128xf32, #tpu.memory_space<vmem>>) target(%dma_start3A_64 : memref<128x128xf32, #tpu.memory_space<vmem_shared>>) target_semaphore(%run_scoped3A : memref<!tpu.dma_semaphore, #tpu.memory_space<semaphore_mem>>)
      %dma_wait3A = arith.constant 0 : i32
      %dma_wait3A_65 = tpu.memref_slice %arg10[%add3A_20, %dma_wait3A] : memref<10240x128xf32, #tpu.memory_space<vmem_shared>> -> memref<128x128xf32, #tpu.memory_space<vmem_shared>>
      %dma_wait3A_66 = arith.constant 0 : i32
      %dma_wait3A_67 = tpu.memref_slice %arg10[%add3A_20, %dma_wait3A_66] : memref<10240x128xf32, #tpu.memory_space<vmem_shared>> -> memref<128x128xf32, #tpu.memory_space<vmem_shared>>
      tpu.wait_dma2 semaphore(%run_scoped3A : memref<!tpu.dma_semaphore, #tpu.memory_space<semaphore_mem>>) src(%arg8 : memref<128x128xf32, #tpu.memory_space<vmem>>) dst(%dma_wait3A_67 : memref<128x128xf32, #tpu.memory_space<vmem_shared>>)
      tpu.yield
    }) : () -> ()
    %mul3A_21 = arith.constant 640 : i32
    %mul3A_22 = arith.muli %mul3A_21, %arg1 : i32
    %add3A_23 = arith.constant 512 : i32
    %add3A_24 = arith.addi %mul3A_22, %add3A_23 : i32
    "tpu.region"() ({
      %run_scoped3A = tpu.sem_alloc : memref<!tpu.dma_semaphore, #tpu.memory_space<semaphore_mem>>
      %dma_start3A_61 = arith.constant 0 : i32
      %dma_start3A_62 = tpu.memref_slice %arg10[%add3A_24, %dma_start3A_61] : memref<10240x128xf32, #tpu.memory_space<vmem_shared>> -> memref<128x128xf32, #tpu.memory_space<vmem_shared>>
      %dma_start3A_63 = arith.constant 0 : i32
      %dma_start3A_64 = tpu.memref_slice %arg10[%add3A_24, %dma_start3A_63] : memref<10240x128xf32, #tpu.memory_space<vmem_shared>> -> memref<128x128xf32, #tpu.memory_space<vmem_shared>>
      tpu.enqueue_dma source(%arg8 : memref<128x128xf32, #tpu.memory_space<vmem>>) target(%dma_start3A_64 : memref<128x128xf32, #tpu.memory_space<vmem_shared>>) target_semaphore(%run_scoped3A : memref<!tpu.dma_semaphore, #tpu.memory_space<semaphore_mem>>)
      %dma_wait3A = arith.constant 0 : i32
      %dma_wait3A_65 = tpu.memref_slice %arg10[%add3A_24, %dma_wait3A] : memref<10240x128xf32, #tpu.memory_space<vmem_shared>> -> memref<128x128xf32, #tpu.memory_space<vmem_shared>>
      %dma_wait3A_66 = arith.constant 0 : i32
      %dma_wait3A_67 = tpu.memref_slice %arg10[%add3A_24, %dma_wait3A_66] : memref<10240x128xf32, #tpu.memory_space<vmem_shared>> -> memref<128x128xf32, #tpu.memory_space<vmem_shared>>
      tpu.wait_dma2 semaphore(%run_scoped3A : memref<!tpu.dma_semaphore, #tpu.memory_space<semaphore_mem>>) src(%arg8 : memref<128x128xf32, #tpu.memory_space<vmem>>) dst(%dma_wait3A_67 : memref<128x128xf32, #tpu.memory_space<vmem_shared>>)
      tpu.yield
    }) : () -> ()
    %barrier3A = arith.constant 0 : index
    tpu.barrier barrier_id(%barrier3A)
    %mul3A_25 = arith.constant 80 : i32
    %mul3A_26 = arith.muli %add3A, %mul3A_25 : i32
    %add3A_27 = arith.constant 0 : i32
    %add3A_28 = arith.addi %mul3A_26, %add3A_27 : i32
    "tpu.region"() ({
      %run_scoped3A = tpu.sem_alloc : memref<!tpu.dma_semaphore, #tpu.memory_space<semaphore_mem>>
      %dma_start3A_61 = arith.constant 0 : i32
      %dma_start3A_62 = tpu.memref_slice %arg3[%add3A_28, %dma_start3A_61] : memref<2560x128xi32, #tpu.memory_space<hbm>> -> memref<40x128xi32, #tpu.memory_space<hbm>>
      %dma_start3A_63 = arith.constant 0 : i32
      %dma_start3A_64 = tpu.memref_slice %arg3[%add3A_28, %dma_start3A_63] : memref<2560x128xi32, #tpu.memory_space<hbm>> -> memref<40x128xi32, #tpu.memory_space<hbm>>
      tpu.enqueue_dma source(%dma_start3A_64 : memref<40x128xi32, #tpu.memory_space<hbm>>) target(%arg6 : memref<40x128xi32, #tpu.memory_space<vmem>>) target_semaphore(%run_scoped3A : memref<!tpu.dma_semaphore, #tpu.memory_space<semaphore_mem>>)
      %dma_wait3A = arith.constant 0 : i32
      %dma_wait3A_65 = tpu.memref_slice %arg3[%add3A_28, %dma_wait3A] : memref<2560x128xi32, #tpu.memory_space<hbm>> -> memref<40x128xi32, #tpu.memory_space<hbm>>
      %dma_wait3A_66 = arith.constant 0 : i32
      %dma_wait3A_67 = tpu.memref_slice %arg3[%add3A_28, %dma_wait3A_66] : memref<2560x128xi32, #tpu.memory_space<hbm>> -> memref<40x128xi32, #tpu.memory_space<hbm>>
      tpu.wait_dma2 semaphore(%run_scoped3A : memref<!tpu.dma_semaphore, #tpu.memory_space<semaphore_mem>>) src(%dma_wait3A_67 : memref<40x128xi32, #tpu.memory_space<hbm>>) dst(%arg6 : memref<40x128xi32, #tpu.memory_space<vmem>>)
      tpu.yield
    }) : () -> ()
    "tpu.region"() ({
      %run_scoped3A = tpu.sem_alloc : memref<!tpu.dma_semaphore, #tpu.memory_space<semaphore_mem>>
      %dma_start3A_61 = arith.constant 0 : i32
      %dma_start3A_62 = tpu.memref_slice %arg4[%add3A_28, %dma_start3A_61] : memref<2560x128xi32, #tpu.memory_space<hbm>> -> memref<40x128xi32, #tpu.memory_space<hbm>>
      %dma_start3A_63 = arith.constant 0 : i32
      %dma_start3A_64 = tpu.memref_slice %arg4[%add3A_28, %dma_start3A_63] : memref<2560x128xi32, #tpu.memory_space<hbm>> -> memref<40x128xi32, #tpu.memory_space<hbm>>
      tpu.enqueue_dma source(%dma_start3A_64 : memref<40x128xi32, #tpu.memory_space<hbm>>) target(%arg7 : memref<40x128xi32, #tpu.memory_space<vmem>>) target_semaphore(%run_scoped3A : memref<!tpu.dma_semaphore, #tpu.memory_space<semaphore_mem>>)
      %dma_wait3A = arith.constant 0 : i32
      %dma_wait3A_65 = tpu.memref_slice %arg4[%add3A_28, %dma_wait3A] : memref<2560x128xi32, #tpu.memory_space<hbm>> -> memref<40x128xi32, #tpu.memory_space<hbm>>
      %dma_wait3A_66 = arith.constant 0 : i32
      %dma_wait3A_67 = tpu.memref_slice %arg4[%add3A_28, %dma_wait3A_66] : memref<2560x128xi32, #tpu.memory_space<hbm>> -> memref<40x128xi32, #tpu.memory_space<hbm>>
      tpu.wait_dma2 semaphore(%run_scoped3A : memref<!tpu.dma_semaphore, #tpu.memory_space<semaphore_mem>>) src(%dma_wait3A_67 : memref<40x128xi32, #tpu.memory_space<hbm>>) dst(%arg7 : memref<40x128xi32, #tpu.memory_space<vmem>>)
      tpu.yield
    }) : () -> ()
    %dma_start3A = arith.constant 0 : i32
    %dma_start3A_29 = arith.constant 0 : i32
    %dma_start3A_30 = tpu.memref_slice %arg6[%dma_start3A, %dma_start3A_29] : memref<40x128xi32, #tpu.memory_space<vmem>> -> memref<1x128xi32, #tpu.memory_space<vmem>>
    %dma_start3A_31 = tpu.memref_squeeze %dma_start3A_30 : memref<1x128xi32, #tpu.memory_space<vmem>> -> memref<128xi32, #tpu.memory_space<vmem>>
    %dma_start3A_32 = arith.constant 0 : i32
    %dma_start3A_33 = arith.constant 0 : i32
    %dma_start3A_34 = tpu.memref_slice %arg2[%dma_start3A_32, %dma_start3A_33] : memref<10000x128xf32, #tpu.memory_space<hbm>> -> memref<10000x128xf32, #tpu.memory_space<hbm>>
    tpu.enqueue_indirect_dma source(%dma_start3A_34 : memref<10000x128xf32, #tpu.memory_space<hbm>>) target(%arg8 : memref<128x128xf32, #tpu.memory_space<vmem>>) offsets(%dma_start3A_31 : memref<128xi32, #tpu.memory_space<vmem>>) semaphore(%arg11 : memref<!tpu.dma_semaphore, #tpu.memory_space<semaphore_mem>>)
    %scan3A_35 = arith.constant 0 : i32
    %scan3A_36 = arith.constant 20 : i32
    %scan3A_37 = arith.addi %scan3A_35, %scan3A_36 : i32
    %scan3A_38 = arith.constant 1 : i32
    scf.for %scan3A_61 = %scan3A_35 to %scan3A_37 step %scan3A_38  : i32 {
      %mul3A_62 = arith.constant 1 : i32
      %mul3A_63 = arith.muli %scan3A_61, %mul3A_62 : i32
      %add3A_64 = arith.constant 0 : i32
      %add3A_65 = arith.addi %add3A_64, %mul3A_63 : i32
      %dma_wait3A = arith.constant 0 : i32
      %dma_wait3A_66 = arith.constant 0 : i32
      %dma_wait3A_67 = tpu.memref_slice %arg6[%dma_wait3A, %dma_wait3A_66] : memref<40x128xi32, #tpu.memory_space<vmem>> -> memref<1x128xi32, #tpu.memory_space<vmem>>
      %dma_wait3A_68 = tpu.memref_squeeze %dma_wait3A_67 : memref<1x128xi32, #tpu.memory_space<vmem>> -> memref<128xi32, #tpu.memory_space<vmem>>
      %dma_wait3A_69 = arith.constant 0 : i32
      %dma_wait3A_70 = arith.constant 0 : i32
      %dma_wait3A_71 = tpu.memref_slice %arg2[%dma_wait3A_69, %dma_wait3A_70] : memref<10000x128xf32, #tpu.memory_space<hbm>> -> memref<10000x128xf32, #tpu.memory_space<hbm>>
      tpu.wait_indirect_dma semaphore(%arg11 : memref<!tpu.dma_semaphore, #tpu.memory_space<semaphore_mem>>) src(%dma_wait3A_71 : memref<10000x128xf32, #tpu.memory_space<hbm>>) dst(%arg8 : memref<128x128xf32, #tpu.memory_space<vmem>>)
      %mul3A_72 = arith.constant 2 : i32
      %mul3A_73 = arith.muli %mul3A_72, %add3A_65 : i32
      %add3A_74 = arith.constant 1 : i32
      %add3A_75 = arith.addi %mul3A_73, %add3A_74 : i32
      %dma_start3A_76 = arith.constant 0 : i32
      %dma_start3A_77 = tpu.memref_slice %arg6[%add3A_75, %dma_start3A_76] : memref<40x128xi32, #tpu.memory_space<vmem>> -> memref<1x128xi32, #tpu.memory_space<vmem>>
      %dma_start3A_78 = tpu.memref_squeeze %dma_start3A_77 : memref<1x128xi32, #tpu.memory_space<vmem>> -> memref<128xi32, #tpu.memory_space<vmem>>
      %dma_start3A_79 = arith.constant 0 : i32
      %dma_start3A_80 = arith.constant 0 : i32
      %dma_start3A_81 = tpu.memref_slice %arg2[%dma_start3A_79, %dma_start3A_80] : memref<10000x128xf32, #tpu.memory_space<hbm>> -> memref<10000x128xf32, #tpu.memory_space<hbm>>
      tpu.enqueue_indirect_dma source(%dma_start3A_81 : memref<10000x128xf32, #tpu.memory_space<hbm>>) target(%arg9 : memref<128x128xf32, #tpu.memory_space<vmem>>) offsets(%dma_start3A_78 : memref<128xi32, #tpu.memory_space<vmem>>) semaphore(%arg12 : memref<!tpu.dma_semaphore, #tpu.memory_space<semaphore_mem>>)
      %mul3A_82 = arith.constant 2 : i32
      %mul3A_83 = arith.muli %mul3A_82, %add3A_65 : i32
      "tpu.region"() ({
        %run_scoped3A = tpu.sem_alloc : memref<!tpu.dma_semaphore, #tpu.memory_space<semaphore_mem>>
        %dma_start3A_97 = arith.constant 0 : i32
        %dma_start3A_98 = tpu.memref_slice %arg7[%mul3A_83, %dma_start3A_97] : memref<40x128xi32, #tpu.memory_space<vmem>> -> memref<1x128xi32, #tpu.memory_space<vmem>>
        %dma_start3A_99 = tpu.memref_squeeze %dma_start3A_98 : memref<1x128xi32, #tpu.memory_space<vmem>> -> memref<128xi32, #tpu.memory_space<vmem>>
        %dma_start3A_100 = arith.constant 0 : i32
        %dma_start3A_101 = arith.constant 0 : i32
        %dma_start3A_102 = tpu.memref_slice %arg10[%dma_start3A_100, %dma_start3A_101] : memref<10240x128xf32, #tpu.memory_space<vmem_shared>> -> memref<10240x128xf32, #tpu.memory_space<vmem_shared>>
        tpu.enqueue_indirect_dma source(%arg8 : memref<128x128xf32, #tpu.memory_space<vmem>>) target(%dma_start3A_102 : memref<10240x128xf32, #tpu.memory_space<vmem_shared>>) offsets(%dma_start3A_99 : memref<128xi32, #tpu.memory_space<vmem>>) semaphore(%run_scoped3A : memref<!tpu.dma_semaphore, #tpu.memory_space<semaphore_mem>>) {add = true}
        %dma_wait3A_103 = arith.constant 0 : i32
        %dma_wait3A_104 = tpu.memref_slice %arg7[%mul3A_83, %dma_wait3A_103] : memref<40x128xi32, #tpu.memory_space<vmem>> -> memref<1x128xi32, #tpu.memory_space<vmem>>
        %dma_wait3A_105 = tpu.memref_squeeze %dma_wait3A_104 : memref<1x128xi32, #tpu.memory_space<vmem>> -> memref<128xi32, #tpu.memory_space<vmem>>
        %dma_wait3A_106 = arith.constant 0 : i32
        %dma_wait3A_107 = arith.constant 0 : i32
        %dma_wait3A_108 = tpu.memref_slice %arg10[%dma_wait3A_106, %dma_wait3A_107] : memref<10240x128xf32, #tpu.memory_space<vmem_shared>> -> memref<10240x128xf32, #tpu.memory_space<vmem_shared>>
        tpu.wait_indirect_dma semaphore(%run_scoped3A : memref<!tpu.dma_semaphore, #tpu.memory_space<semaphore_mem>>) src(%arg8 : memref<128x128xf32, #tpu.memory_space<vmem>>) dst(%dma_wait3A_108 : memref<10240x128xf32, #tpu.memory_space<vmem_shared>>)
        tpu.yield
      }) : () -> ()
      %dma_wait3A_84 = arith.constant 0 : i32
      %dma_wait3A_85 = arith.constant 0 : i32
      %dma_wait3A_86 = tpu.memref_slice %arg6[%dma_wait3A_84, %dma_wait3A_85] : memref<40x128xi32, #tpu.memory_space<vmem>> -> memref<1x128xi32, #tpu.memory_space<vmem>>
      %dma_wait3A_87 = tpu.memref_squeeze %dma_wait3A_86 : memref<1x128xi32, #tpu.memory_space<vmem>> -> memref<128xi32, #tpu.memory_space<vmem>>
      %dma_wait3A_88 = arith.constant 0 : i32
      %dma_wait3A_89 = arith.constant 0 : i32
      %dma_wait3A_90 = tpu.memref_slice %arg2[%dma_wait3A_88, %dma_wait3A_89] : memref<10000x128xf32, #tpu.memory_space<hbm>> -> memref<10000x128xf32, #tpu.memory_space<hbm>>
      tpu.wait_indirect_dma semaphore(%arg12 : memref<!tpu.dma_semaphore, #tpu.memory_space<semaphore_mem>>) src(%dma_wait3A_90 : memref<10000x128xf32, #tpu.memory_space<hbm>>) dst(%arg9 : memref<128x128xf32, #tpu.memory_space<vmem>>)
      %lt3A = arith.constant 19 : i32
      %lt3A_91 = arith.cmpi slt, %add3A_65, %lt3A : i32
      %convert_element_type3A = arith.extui %lt3A_91 : i1 to i32
      %cond3A = arith.constant 0 : i32
      %cond3A_92 = arith.cmpi ne, %convert_element_type3A, %cond3A : i32
      scf.if %cond3A_92 {
        %mul3A_97 = arith.constant 2 : i32
        %mul3A_98 = arith.muli %mul3A_97, %add3A_65 : i32
        %add3A_99 = arith.constant 2 : i32
        %add3A_100 = arith.addi %mul3A_98, %add3A_99 : i32
        %dma_start3A_101 = arith.constant 0 : i32
        %dma_start3A_102 = tpu.memref_slice %arg6[%add3A_100, %dma_start3A_101] : memref<40x128xi32, #tpu.memory_space<vmem>> -> memref<1x128xi32, #tpu.memory_space<vmem>>
        %dma_start3A_103 = tpu.memref_squeeze %dma_start3A_102 : memref<1x128xi32, #tpu.memory_space<vmem>> -> memref<128xi32, #tpu.memory_space<vmem>>
        %dma_start3A_104 = arith.constant 0 : i32
        %dma_start3A_105 = arith.constant 0 : i32
        %dma_start3A_106 = tpu.memref_slice %arg2[%dma_start3A_104, %dma_start3A_105] : memref<10000x128xf32, #tpu.memory_space<hbm>> -> memref<10000x128xf32, #tpu.memory_space<hbm>>
        tpu.enqueue_indirect_dma source(%dma_start3A_106 : memref<10000x128xf32, #tpu.memory_space<hbm>>) target(%arg8 : memref<128x128xf32, #tpu.memory_space<vmem>>) offsets(%dma_start3A_103 : memref<128xi32, #tpu.memory_space<vmem>>) semaphore(%arg11 : memref<!tpu.dma_semaphore, #tpu.memory_space<semaphore_mem>>)
      } else {
      }
      %mul3A_93 = arith.constant 2 : i32
      %mul3A_94 = arith.muli %mul3A_93, %add3A_65 : i32
      %add3A_95 = arith.constant 1 : i32
      %add3A_96 = arith.addi %mul3A_94, %add3A_95 : i32
      "tpu.region"() ({
        %run_scoped3A = tpu.sem_alloc : memref<!tpu.dma_semaphore, #tpu.memory_space<semaphore_mem>>
        %dma_start3A_97 = arith.constant 0 : i32
        %dma_start3A_98 = tpu.memref_slice %arg7[%add3A_96, %dma_start3A_97] : memref<40x128xi32, #tpu.memory_space<vmem>> -> memref<1x128xi32, #tpu.memory_space<vmem>>
        %dma_start3A_99 = tpu.memref_squeeze %dma_start3A_98 : memref<1x128xi32, #tpu.memory_space<vmem>> -> memref<128xi32, #tpu.memory_space<vmem>>
        %dma_start3A_100 = arith.constant 0 : i32
        %dma_start3A_101 = arith.constant 0 : i32
        %dma_start3A_102 = tpu.memref_slice %arg10[%dma_start3A_100, %dma_start3A_101] : memref<10240x128xf32, #tpu.memory_space<vmem_shared>> -> memref<10240x128xf32, #tpu.memory_space<vmem_shared>>
        tpu.enqueue_indirect_dma source(%arg9 : memref<128x128xf32, #tpu.memory_space<vmem>>) target(%dma_start3A_102 : memref<10240x128xf32, #tpu.memory_space<vmem_shared>>) offsets(%dma_start3A_99 : memref<128xi32, #tpu.memory_space<vmem>>) semaphore(%run_scoped3A : memref<!tpu.dma_semaphore, #tpu.memory_space<semaphore_mem>>) {add = true}
        %dma_wait3A_103 = arith.constant 0 : i32
        %dma_wait3A_104 = tpu.memref_slice %arg7[%add3A_96, %dma_wait3A_103] : memref<40x128xi32, #tpu.memory_space<vmem>> -> memref<1x128xi32, #tpu.memory_space<vmem>>
        %dma_wait3A_105 = tpu.memref_squeeze %dma_wait3A_104 : memref<1x128xi32, #tpu.memory_space<vmem>> -> memref<128xi32, #tpu.memory_space<vmem>>
        %dma_wait3A_106 = arith.constant 0 : i32
        %dma_wait3A_107 = arith.constant 0 : i32
        %dma_wait3A_108 = tpu.memref_slice %arg10[%dma_wait3A_106, %dma_wait3A_107] : memref<10240x128xf32, #tpu.memory_space<vmem_shared>> -> memref<10240x128xf32, #tpu.memory_space<vmem_shared>>
        tpu.wait_indirect_dma semaphore(%run_scoped3A : memref<!tpu.dma_semaphore, #tpu.memory_space<semaphore_mem>>) src(%arg9 : memref<128x128xf32, #tpu.memory_space<vmem>>) dst(%dma_wait3A_108 : memref<10240x128xf32, #tpu.memory_space<vmem_shared>>)
        tpu.yield
      }) : () -> ()
    }
    %scan3A_39 = arith.constant 20 : i32
    %mul3A_40 = arith.constant 80 : i32
    %mul3A_41 = arith.muli %add3A, %mul3A_40 : i32
    %add3A_42 = arith.constant 40 : i32
    %add3A_43 = arith.addi %mul3A_41, %add3A_42 : i32
    "tpu.region"() ({
      %run_scoped3A = tpu.sem_alloc : memref<!tpu.dma_semaphore, #tpu.memory_space<semaphore_mem>>
      %dma_start3A_61 = arith.constant 0 : i32
      %dma_start3A_62 = tpu.memref_slice %arg3[%add3A_43, %dma_start3A_61] : memref<2560x128xi32, #tpu.memory_space<hbm>> -> memref<40x128xi32, #tpu.memory_space<hbm>>
      %dma_start3A_63 = arith.constant 0 : i32
      %dma_start3A_64 = tpu.memref_slice %arg3[%add3A_43, %dma_start3A_63] : memref<2560x128xi32, #tpu.memory_space<hbm>> -> memref<40x128xi32, #tpu.memory_space<hbm>>
      tpu.enqueue_dma source(%dma_start3A_64 : memref<40x128xi32, #tpu.memory_space<hbm>>) target(%arg6 : memref<40x128xi32, #tpu.memory_space<vmem>>) target_semaphore(%run_scoped3A : memref<!tpu.dma_semaphore, #tpu.memory_space<semaphore_mem>>)
      %dma_wait3A = arith.constant 0 : i32
      %dma_wait3A_65 = tpu.memref_slice %arg3[%add3A_43, %dma_wait3A] : memref<2560x128xi32, #tpu.memory_space<hbm>> -> memref<40x128xi32, #tpu.memory_space<hbm>>
      %dma_wait3A_66 = arith.constant 0 : i32
      %dma_wait3A_67 = tpu.memref_slice %arg3[%add3A_43, %dma_wait3A_66] : memref<2560x128xi32, #tpu.memory_space<hbm>> -> memref<40x128xi32, #tpu.memory_space<hbm>>
      tpu.wait_dma2 semaphore(%run_scoped3A : memref<!tpu.dma_semaphore, #tpu.memory_space<semaphore_mem>>) src(%dma_wait3A_67 : memref<40x128xi32, #tpu.memory_space<hbm>>) dst(%arg6 : memref<40x128xi32, #tpu.memory_space<vmem>>)
      tpu.yield
    }) : () -> ()
    "tpu.region"() ({
      %run_scoped3A = tpu.sem_alloc : memref<!tpu.dma_semaphore, #tpu.memory_space<semaphore_mem>>
      %dma_start3A_61 = arith.constant 0 : i32
      %dma_start3A_62 = tpu.memref_slice %arg4[%add3A_43, %dma_start3A_61] : memref<2560x128xi32, #tpu.memory_space<hbm>> -> memref<40x128xi32, #tpu.memory_space<hbm>>
      %dma_start3A_63 = arith.constant 0 : i32
      %dma_start3A_64 = tpu.memref_slice %arg4[%add3A_43, %dma_start3A_63] : memref<2560x128xi32, #tpu.memory_space<hbm>> -> memref<40x128xi32, #tpu.memory_space<hbm>>
      tpu.enqueue_dma source(%dma_start3A_64 : memref<40x128xi32, #tpu.memory_space<hbm>>) target(%arg7 : memref<40x128xi32, #tpu.memory_space<vmem>>) target_semaphore(%run_scoped3A : memref<!tpu.dma_semaphore, #tpu.memory_space<semaphore_mem>>)
      %dma_wait3A = arith.constant 0 : i32
      %dma_wait3A_65 = tpu.memref_slice %arg4[%add3A_43, %dma_wait3A] : memref<2560x128xi32, #tpu.memory_space<hbm>> -> memref<40x128xi32, #tpu.memory_space<hbm>>
      %dma_wait3A_66 = arith.constant 0 : i32
      %dma_wait3A_67 = tpu.memref_slice %arg4[%add3A_43, %dma_wait3A_66] : memref<2560x128xi32, #tpu.memory_space<hbm>> -> memref<40x128xi32, #tpu.memory_space<hbm>>
      tpu.wait_dma2 semaphore(%run_scoped3A : memref<!tpu.dma_semaphore, #tpu.memory_space<semaphore_mem>>) src(%dma_wait3A_67 : memref<40x128xi32, #tpu.memory_space<hbm>>) dst(%arg7 : memref<40x128xi32, #tpu.memory_space<vmem>>)
      tpu.yield
    }) : () -> ()
    %dma_start3A_44 = arith.constant 0 : i32
    %dma_start3A_45 = arith.constant 0 : i32
    %dma_start3A_46 = tpu.memref_slice %arg6[%dma_start3A_44, %dma_start3A_45] : memref<40x128xi32, #tpu.memory_space<vmem>> -> memref<1x128xi32, #tpu.memory_space<vmem>>
    %dma_start3A_47 = tpu.memref_squeeze %dma_start3A_46 : memref<1x128xi32, #tpu.memory_space<vmem>> -> memref<128xi32, #tpu.memory_space<vmem>>
    %dma_start3A_48 = arith.constant 0 : i32
    %dma_start3A_49 = arith.constant 0 : i32
    %dma_start3A_50 = tpu.memref_slice %arg2[%dma_start3A_48, %dma_start3A_49] : memref<10000x128xf32, #tpu.memory_space<hbm>> -> memref<10000x128xf32, #tpu.memory_space<hbm>>
    tpu.enqueue_indirect_dma source(%dma_start3A_50 : memref<10000x128xf32, #tpu.memory_space<hbm>>) target(%arg8 : memref<128x128xf32, #tpu.memory_space<vmem>>) offsets(%dma_start3A_47 : memref<128xi32, #tpu.memory_space<vmem>>) semaphore(%arg11 : memref<!tpu.dma_semaphore, #tpu.memory_space<semaphore_mem>>)
    %scan3A_51 = arith.constant 0 : i32
    %scan3A_52 = arith.constant 20 : i32
    %scan3A_53 = arith.addi %scan3A_51, %scan3A_52 : i32
    %scan3A_54 = arith.constant 1 : i32
    scf.for %scan3A_61 = %scan3A_51 to %scan3A_53 step %scan3A_54  : i32 {
      %mul3A_62 = arith.constant 1 : i32
      %mul3A_63 = arith.muli %scan3A_61, %mul3A_62 : i32
      %add3A_64 = arith.constant 0 : i32
      %add3A_65 = arith.addi %add3A_64, %mul3A_63 : i32
      %dma_wait3A = arith.constant 0 : i32
      %dma_wait3A_66 = arith.constant 0 : i32
      %dma_wait3A_67 = tpu.memref_slice %arg6[%dma_wait3A, %dma_wait3A_66] : memref<40x128xi32, #tpu.memory_space<vmem>> -> memref<1x128xi32, #tpu.memory_space<vmem>>
      %dma_wait3A_68 = tpu.memref_squeeze %dma_wait3A_67 : memref<1x128xi32, #tpu.memory_space<vmem>> -> memref<128xi32, #tpu.memory_space<vmem>>
      %dma_wait3A_69 = arith.constant 0 : i32
      %dma_wait3A_70 = arith.constant 0 : i32
      %dma_wait3A_71 = tpu.memref_slice %arg2[%dma_wait3A_69, %dma_wait3A_70] : memref<10000x128xf32, #tpu.memory_space<hbm>> -> memref<10000x128xf32, #tpu.memory_space<hbm>>
      tpu.wait_indirect_dma semaphore(%arg11 : memref<!tpu.dma_semaphore, #tpu.memory_space<semaphore_mem>>) src(%dma_wait3A_71 : memref<10000x128xf32, #tpu.memory_space<hbm>>) dst(%arg8 : memref<128x128xf32, #tpu.memory_space<vmem>>)
      %mul3A_72 = arith.constant 2 : i32
      %mul3A_73 = arith.muli %mul3A_72, %add3A_65 : i32
      %add3A_74 = arith.constant 1 : i32
      %add3A_75 = arith.addi %mul3A_73, %add3A_74 : i32
      %dma_start3A_76 = arith.constant 0 : i32
      %dma_start3A_77 = tpu.memref_slice %arg6[%add3A_75, %dma_start3A_76] : memref<40x128xi32, #tpu.memory_space<vmem>> -> memref<1x128xi32, #tpu.memory_space<vmem>>
      %dma_start3A_78 = tpu.memref_squeeze %dma_start3A_77 : memref<1x128xi32, #tpu.memory_space<vmem>> -> memref<128xi32, #tpu.memory_space<vmem>>
      %dma_start3A_79 = arith.constant 0 : i32
      %dma_start3A_80 = arith.constant 0 : i32
      %dma_start3A_81 = tpu.memref_slice %arg2[%dma_start3A_79, %dma_start3A_80] : memref<10000x128xf32, #tpu.memory_space<hbm>> -> memref<10000x128xf32, #tpu.memory_space<hbm>>
      tpu.enqueue_indirect_dma source(%dma_start3A_81 : memref<10000x128xf32, #tpu.memory_space<hbm>>) target(%arg9 : memref<128x128xf32, #tpu.memory_space<vmem>>) offsets(%dma_start3A_78 : memref<128xi32, #tpu.memory_space<vmem>>) semaphore(%arg12 : memref<!tpu.dma_semaphore, #tpu.memory_space<semaphore_mem>>)
      %mul3A_82 = arith.constant 2 : i32
      %mul3A_83 = arith.muli %mul3A_82, %add3A_65 : i32
      "tpu.region"() ({
        %run_scoped3A = tpu.sem_alloc : memref<!tpu.dma_semaphore, #tpu.memory_space<semaphore_mem>>
        %dma_start3A_97 = arith.constant 0 : i32
        %dma_start3A_98 = tpu.memref_slice %arg7[%mul3A_83, %dma_start3A_97] : memref<40x128xi32, #tpu.memory_space<vmem>> -> memref<1x128xi32, #tpu.memory_space<vmem>>
        %dma_start3A_99 = tpu.memref_squeeze %dma_start3A_98 : memref<1x128xi32, #tpu.memory_space<vmem>> -> memref<128xi32, #tpu.memory_space<vmem>>
        %dma_start3A_100 = arith.constant 0 : i32
        %dma_start3A_101 = arith.constant 0 : i32
        %dma_start3A_102 = tpu.memref_slice %arg10[%dma_start3A_100, %dma_start3A_101] : memref<10240x128xf32, #tpu.memory_space<vmem_shared>> -> memref<10240x128xf32, #tpu.memory_space<vmem_shared>>
        tpu.enqueue_indirect_dma source(%arg8 : memref<128x128xf32, #tpu.memory_space<vmem>>) target(%dma_start3A_102 : memref<10240x128xf32, #tpu.memory_space<vmem_shared>>) offsets(%dma_start3A_99 : memref<128xi32, #tpu.memory_space<vmem>>) semaphore(%run_scoped3A : memref<!tpu.dma_semaphore, #tpu.memory_space<semaphore_mem>>) {add = true}
        %dma_wait3A_103 = arith.constant 0 : i32
        %dma_wait3A_104 = tpu.memref_slice %arg7[%mul3A_83, %dma_wait3A_103] : memref<40x128xi32, #tpu.memory_space<vmem>> -> memref<1x128xi32, #tpu.memory_space<vmem>>
        %dma_wait3A_105 = tpu.memref_squeeze %dma_wait3A_104 : memref<1x128xi32, #tpu.memory_space<vmem>> -> memref<128xi32, #tpu.memory_space<vmem>>
        %dma_wait3A_106 = arith.constant 0 : i32
        %dma_wait3A_107 = arith.constant 0 : i32
        %dma_wait3A_108 = tpu.memref_slice %arg10[%dma_wait3A_106, %dma_wait3A_107] : memref<10240x128xf32, #tpu.memory_space<vmem_shared>> -> memref<10240x128xf32, #tpu.memory_space<vmem_shared>>
        tpu.wait_indirect_dma semaphore(%run_scoped3A : memref<!tpu.dma_semaphore, #tpu.memory_space<semaphore_mem>>) src(%arg8 : memref<128x128xf32, #tpu.memory_space<vmem>>) dst(%dma_wait3A_108 : memref<10240x128xf32, #tpu.memory_space<vmem_shared>>)
        tpu.yield
      }) : () -> ()
      %dma_wait3A_84 = arith.constant 0 : i32
      %dma_wait3A_85 = arith.constant 0 : i32
      %dma_wait3A_86 = tpu.memref_slice %arg6[%dma_wait3A_84, %dma_wait3A_85] : memref<40x128xi32, #tpu.memory_space<vmem>> -> memref<1x128xi32, #tpu.memory_space<vmem>>
      %dma_wait3A_87 = tpu.memref_squeeze %dma_wait3A_86 : memref<1x128xi32, #tpu.memory_space<vmem>> -> memref<128xi32, #tpu.memory_space<vmem>>
      %dma_wait3A_88 = arith.constant 0 : i32
      %dma_wait3A_89 = arith.constant 0 : i32
      %dma_wait3A_90 = tpu.memref_slice %arg2[%dma_wait3A_88, %dma_wait3A_89] : memref<10000x128xf32, #tpu.memory_space<hbm>> -> memref<10000x128xf32, #tpu.memory_space<hbm>>
      tpu.wait_indirect_dma semaphore(%arg12 : memref<!tpu.dma_semaphore, #tpu.memory_space<semaphore_mem>>) src(%dma_wait3A_90 : memref<10000x128xf32, #tpu.memory_space<hbm>>) dst(%arg9 : memref<128x128xf32, #tpu.memory_space<vmem>>)
      %lt3A = arith.constant 19 : i32
      %lt3A_91 = arith.cmpi slt, %add3A_65, %lt3A : i32
      %convert_element_type3A = arith.extui %lt3A_91 : i1 to i32
      %cond3A = arith.constant 0 : i32
      %cond3A_92 = arith.cmpi ne, %convert_element_type3A, %cond3A : i32
      scf.if %cond3A_92 {
        %mul3A_97 = arith.constant 2 : i32
        %mul3A_98 = arith.muli %mul3A_97, %add3A_65 : i32
        %add3A_99 = arith.constant 2 : i32
        %add3A_100 = arith.addi %mul3A_98, %add3A_99 : i32
        %dma_start3A_101 = arith.constant 0 : i32
        %dma_start3A_102 = tpu.memref_slice %arg6[%add3A_100, %dma_start3A_101] : memref<40x128xi32, #tpu.memory_space<vmem>> -> memref<1x128xi32, #tpu.memory_space<vmem>>
        %dma_start3A_103 = tpu.memref_squeeze %dma_start3A_102 : memref<1x128xi32, #tpu.memory_space<vmem>> -> memref<128xi32, #tpu.memory_space<vmem>>
        %dma_start3A_104 = arith.constant 0 : i32
        %dma_start3A_105 = arith.constant 0 : i32
        %dma_start3A_106 = tpu.memref_slice %arg2[%dma_start3A_104, %dma_start3A_105] : memref<10000x128xf32, #tpu.memory_space<hbm>> -> memref<10000x128xf32, #tpu.memory_space<hbm>>
        tpu.enqueue_indirect_dma source(%dma_start3A_106 : memref<10000x128xf32, #tpu.memory_space<hbm>>) target(%arg8 : memref<128x128xf32, #tpu.memory_space<vmem>>) offsets(%dma_start3A_103 : memref<128xi32, #tpu.memory_space<vmem>>) semaphore(%arg11 : memref<!tpu.dma_semaphore, #tpu.memory_space<semaphore_mem>>)
      } else {
      }
      %mul3A_93 = arith.constant 2 : i32
      %mul3A_94 = arith.muli %mul3A_93, %add3A_65 : i32
      %add3A_95 = arith.constant 1 : i32
      %add3A_96 = arith.addi %mul3A_94, %add3A_95 : i32
      "tpu.region"() ({
        %run_scoped3A = tpu.sem_alloc : memref<!tpu.dma_semaphore, #tpu.memory_space<semaphore_mem>>
        %dma_start3A_97 = arith.constant 0 : i32
        %dma_start3A_98 = tpu.memref_slice %arg7[%add3A_96, %dma_start3A_97] : memref<40x128xi32, #tpu.memory_space<vmem>> -> memref<1x128xi32, #tpu.memory_space<vmem>>
        %dma_start3A_99 = tpu.memref_squeeze %dma_start3A_98 : memref<1x128xi32, #tpu.memory_space<vmem>> -> memref<128xi32, #tpu.memory_space<vmem>>
        %dma_start3A_100 = arith.constant 0 : i32
        %dma_start3A_101 = arith.constant 0 : i32
        %dma_start3A_102 = tpu.memref_slice %arg10[%dma_start3A_100, %dma_start3A_101] : memref<10240x128xf32, #tpu.memory_space<vmem_shared>> -> memref<10240x128xf32, #tpu.memory_space<vmem_shared>>
        tpu.enqueue_indirect_dma source(%arg9 : memref<128x128xf32, #tpu.memory_space<vmem>>) target(%dma_start3A_102 : memref<10240x128xf32, #tpu.memory_space<vmem_shared>>) offsets(%dma_start3A_99 : memref<128xi32, #tpu.memory_space<vmem>>) semaphore(%run_scoped3A : memref<!tpu.dma_semaphore, #tpu.memory_space<semaphore_mem>>) {add = true}
        %dma_wait3A_103 = arith.constant 0 : i32
        %dma_wait3A_104 = tpu.memref_slice %arg7[%add3A_96, %dma_wait3A_103] : memref<40x128xi32, #tpu.memory_space<vmem>> -> memref<1x128xi32, #tpu.memory_space<vmem>>
        %dma_wait3A_105 = tpu.memref_squeeze %dma_wait3A_104 : memref<1x128xi32, #tpu.memory_space<vmem>> -> memref<128xi32, #tpu.memory_space<vmem>>
        %dma_wait3A_106 = arith.constant 0 : i32
        %dma_wait3A_107 = arith.constant 0 : i32
        %dma_wait3A_108 = tpu.memref_slice %arg10[%dma_wait3A_106, %dma_wait3A_107] : memref<10240x128xf32, #tpu.memory_space<vmem_shared>> -> memref<10240x128xf32, #tpu.memory_space<vmem_shared>>
        tpu.wait_indirect_dma semaphore(%run_scoped3A : memref<!tpu.dma_semaphore, #tpu.memory_space<semaphore_mem>>) src(%arg9 : memref<128x128xf32, #tpu.memory_space<vmem>>) dst(%dma_wait3A_108 : memref<10240x128xf32, #tpu.memory_space<vmem_shared>>)
        tpu.yield
      }) : () -> ()
    }
    %scan3A_55 = arith.constant 20 : i32
    %barrier3A_56 = arith.constant 0 : index
    tpu.barrier barrier_id(%barrier3A_56)
    %mul3A_57 = arith.constant 640 : i32
    %mul3A_58 = arith.muli %mul3A_57, %arg1 : i32
    %mul3A_59 = arith.constant 640 : i32
    %mul3A_60 = arith.muli %mul3A_59, %arg1 : i32
    "tpu.region"() ({
      %run_scoped3A = tpu.sem_alloc : memref<!tpu.dma_semaphore, #tpu.memory_space<semaphore_mem>>
      %dma_start3A_61 = arith.constant 0 : i32
      %dma_start3A_62 = tpu.memref_slice %arg5[%arg0, %mul3A_60, %dma_start3A_61] : memref<2x10240x128xf32, #tpu.memory_space<hbm>> -> memref<1x640x128xf32, #tpu.memory_space<hbm>>
      %dma_start3A_63 = tpu.memref_squeeze %dma_start3A_62 : memref<1x640x128xf32, #tpu.memory_space<hbm>> -> memref<640x128xf32, #tpu.memory_space<hbm>>
      %dma_start3A_64 = arith.constant 0 : i32
      %dma_start3A_65 = tpu.memref_slice %arg10[%mul3A_58, %dma_start3A_64] : memref<10240x128xf32, #tpu.memory_space<vmem_shared>> -> memref<640x128xf32, #tpu.memory_space<vmem_shared>>
      tpu.enqueue_dma source(%dma_start3A_65 : memref<640x128xf32, #tpu.memory_space<vmem_shared>>) target(%dma_start3A_63 : memref<640x128xf32, #tpu.memory_space<hbm>>) target_semaphore(%run_scoped3A : memref<!tpu.dma_semaphore, #tpu.memory_space<semaphore_mem>>)
      %dma_wait3A = arith.constant 0 : i32
      %dma_wait3A_66 = tpu.memref_slice %arg5[%arg0, %mul3A_60, %dma_wait3A] : memref<2x10240x128xf32, #tpu.memory_space<hbm>> -> memref<1x640x128xf32, #tpu.memory_space<hbm>>
      %dma_wait3A_67 = tpu.memref_squeeze %dma_wait3A_66 : memref<1x640x128xf32, #tpu.memory_space<hbm>> -> memref<640x128xf32, #tpu.memory_space<hbm>>
      %dma_wait3A_68 = arith.constant 0 : i32
      %dma_wait3A_69 = tpu.memref_slice %arg10[%mul3A_58, %dma_wait3A_68] : memref<10240x128xf32, #tpu.memory_space<vmem_shared>> -> memref<640x128xf32, #tpu.memory_space<vmem_shared>>
      tpu.wait_dma2 semaphore(%run_scoped3A : memref<!tpu.dma_semaphore, #tpu.memory_space<semaphore_mem>>) src(%dma_wait3A_69 : memref<640x128xf32, #tpu.memory_space<vmem_shared>>) dst(%dma_wait3A_67 : memref<640x128xf32, #tpu.memory_space<hbm>>)
      tpu.yield
    }) : () -> ()
    return
  }
}

module attributes {stable_mosaic.version = 14 : i64} {
  func.func @_sumhist_body(%arg0: memref<32x10240xf32, #tpu.memory_space<vmem>>, %arg1: memref<1x10240xf32, #tpu.memory_space<vmem>>) attributes {dimension_semantics = [], scalar_prefetch = 0 : i64, scratch_operands = 0 : i64, tpu.core_type = #tpu.core_type<tc>} {
    %get3A = arith.constant 0 : index
    %get3A_0 = arith.constant 0 : index
    %get3A_1 = vector.load %arg0[%get3A, %get3A_0] : memref<32x10240xf32, #tpu.memory_space<vmem>>, vector<32x10240xf32>
    %reduce_sum3A = arith.constant dense<0.000000e+00> : vector<10240xf32>
    %reduce_sum3A_2 = vector.multi_reduction <add>, %get3A_1, %reduce_sum3A [0] : vector<32x10240xf32> to vector<10240xf32>
    %broadcast_in_dim3A = vector.shape_cast %reduce_sum3A_2 : vector<10240xf32> to vector<1x10240xf32>
    %add3A = arith.constant 1.000000e+00 : f32
    %add3A_3 = vector.broadcast %add3A : f32 to vector<1x10240xf32>
    %add3A_4 = arith.addf %broadcast_in_dim3A, %add3A_3 : vector<1x10240xf32>
    %swap3A = arith.constant 0 : index
    %swap3A_5 = arith.constant 0 : index
    %swap3A_6 = vector.load %arg1[%swap3A, %swap3A_5] : memref<1x10240xf32, #tpu.memory_space<vmem>>, vector<1x10240xf32>
    tpu.vector_store %arg1[%swap3A, %swap3A_5], %add3A_4 {strides = array<i32>} : memref<1x10240xf32, #tpu.memory_space<vmem>>, vector<1x10240xf32>,
    return
  }
}

module attributes {stable_mosaic.version = 14 : i64} {
  func.func @_pre_body(%arg0: i32, %arg1: memref<2000x128xf32, #tpu.memory_space<vmem>>, %arg2: memref<128x128xf32, #tpu.memory_space<vmem>>, %arg3: memref<1x128xf32, #tpu.memory_space<vmem>>, %arg4: memref<128x128xf32, #tpu.memory_space<vmem>>, %arg5: memref<2000x1xf32, #tpu.memory_space<vmem>>, %arg6: memref<2000x128xf32, #tpu.memory_space<vmem>>, %arg7: memref<2000x1xf32, #tpu.memory_space<vmem>>) attributes {dimension_semantics = [#tpu.dimension_semantics<arbitrary>], iteration_bounds = array<i64: 5>, scalar_prefetch = 0 : i64, scratch_operands = 0 : i64, tpu.core_type = #tpu.core_type<tc>, window_params = [{transform_indices = @transform_0, window_bounds = array<i64: 2000, 128>}, {pipeline_mode = #tpu.pipeline_mode<synchronous>, transform_indices = @transform_1, window_bounds = array<i64: 128, 128>}, {pipeline_mode = #tpu.pipeline_mode<synchronous>, transform_indices = @transform_2, window_bounds = array<i64: 1, 128>}, {pipeline_mode = #tpu.pipeline_mode<synchronous>, transform_indices = @transform_3, window_bounds = array<i64: 128, 128>}, {transform_indices = @transform_4, window_bounds = array<i64: 2000, 1>}, {transform_indices = @transform_5, window_bounds = array<i64: 2000, 128>}, {transform_indices = @transform_6, window_bounds = array<i64: 2000, 1>}]} {
    %get3A = arith.constant 0 : index
    %get3A_0 = arith.constant 0 : index
    %get3A_1 = vector.load %arg1[%get3A, %get3A_0] : memref<2000x128xf32, #tpu.memory_space<vmem>>, vector<2000x128xf32>
    %get3A_2 = arith.constant 0 : index
    %get3A_3 = arith.constant 0 : index
    %get3A_4 = vector.load %arg2[%get3A_2, %get3A_3] : memref<128x128xf32, #tpu.memory_space<vmem>>, vector<128x128xf32>
    %dot_general3A = arith.constant dense<0.000000e+00> : vector<2000x128xf32>
    %dot_general3A_5 = tpu.matmul %get3A_1, %get3A_4, %dot_general3A {dimension_numbers = #tpu.dot_dimension_numbers<[1], [0], [0], [1], [0, 0, 1, 1], [], []>, transpose_lhs_hint = false} : vector<2000x128xf32>, vector<128x128xf32>, vector<2000x128xf32> -> vector<2000x128xf32>
    %get3A_6 = arith.constant 0 : index
    %get3A_7 = arith.constant 0 : index
    %get3A_8 = vector.load %arg3[%get3A_6, %get3A_7] : memref<1x128xf32, #tpu.memory_space<vmem>>, vector<1x128xf32>
    %add3A = vector.broadcast %get3A_8 : vector<1x128xf32> to vector<2000x128xf32>
    %add3A_9 = arith.addf %dot_general3A_5, %add3A : vector<2000x128xf32>
    %max3A = arith.constant 0.000000e+00 : f32
    %max3A_10 = vector.broadcast %max3A : f32 to vector<2000x128xf32>
    %max3A_11 = arith.maximumf %add3A_9, %max3A_10 : vector<2000x128xf32>
    %get3A_12 = arith.constant 0 : index
    %get3A_13 = arith.constant 0 : index
    %get3A_14 = vector.load %arg5[%get3A_12, %get3A_13] : memref<2000x1xf32, #tpu.memory_space<vmem>>, vector<2000x1xf32>
    %rsqrt3A = math.rsqrt %get3A_14 : vector<2000x1xf32>
    %swap3A = arith.constant 0 : index
    %swap3A_15 = arith.constant 0 : index
    %swap3A_16 = vector.load %arg7[%swap3A, %swap3A_15] : memref<2000x1xf32, #tpu.memory_space<vmem>>, vector<2000x1xf32>
    tpu.vector_store %arg7[%swap3A, %swap3A_15], %rsqrt3A {strides = array<i32>} : memref<2000x1xf32, #tpu.memory_space<vmem>>, vector<2000x1xf32>,
    %get3A_17 = arith.constant 0 : index
    %get3A_18 = arith.constant 0 : index
    %get3A_19 = vector.load %arg4[%get3A_17, %get3A_18] : memref<128x128xf32, #tpu.memory_space<vmem>>, vector<128x128xf32>
    %dot_general3A_20 = arith.constant dense<0.000000e+00> : vector<2000x128xf32>
    %dot_general3A_21 = tpu.matmul %max3A_11, %get3A_19, %dot_general3A_20 {dimension_numbers = #tpu.dot_dimension_numbers<[1], [0], [0], [1], [0, 0, 1, 1], [], []>, transpose_lhs_hint = false} : vector<2000x128xf32>, vector<128x128xf32>, vector<2000x128xf32> -> vector<2000x128xf32>
    %mul3A = vector.broadcast %rsqrt3A : vector<2000x1xf32> to vector<2000x128xf32>
    %mul3A_22 = arith.mulf %dot_general3A_21, %mul3A : vector<2000x128xf32>
    %swap3A_23 = arith.constant 0 : index
    %swap3A_24 = arith.constant 0 : index
    %swap3A_25 = vector.load %arg6[%swap3A_23, %swap3A_24] : memref<2000x128xf32, #tpu.memory_space<vmem>>, vector<2000x128xf32>
    tpu.vector_store %arg6[%swap3A_23, %swap3A_24], %mul3A_22 {strides = array<i32>} : memref<2000x128xf32, #tpu.memory_space<vmem>>, vector<2000x128xf32>,
    return
  }
  func.func @transform_0(%arg0: i32) -> (i32, i32) {
    %c0_i32 = arith.constant 0 : i32
    %c0_i32_0 = arith.constant 0 : i32
    return %arg0, %c0_i32 : i32, i32
  }
  func.func @transform_1(%arg0: i32) -> (i32, i32) {
    %c0_i32 = arith.constant 0 : i32
    %c0_i32_0 = arith.constant 0 : i32
    %c0_i32_1 = arith.constant 0 : i32
    return %c0_i32, %c0_i32_0 : i32, i32
  }
  func.func @transform_2(%arg0: i32) -> (i32, i32) {
    %c0_i32 = arith.constant 0 : i32
    %c0_i32_0 = arith.constant 0 : i32
    %c0_i32_1 = arith.constant 0 : i32
    return %c0_i32, %c0_i32_0 : i32, i32
  }
  func.func @transform_3(%arg0: i32) -> (i32, i32) {
    %c0_i32 = arith.constant 0 : i32
    %c0_i32_0 = arith.constant 0 : i32
    %c0_i32_1 = arith.constant 0 : i32
    return %c0_i32, %c0_i32_0 : i32, i32
  }
  func.func @transform_4(%arg0: i32) -> (i32, i32) {
    %c0_i32 = arith.constant 0 : i32
    %c0_i32_0 = arith.constant 0 : i32
    return %arg0, %c0_i32 : i32, i32
  }
  func.func @transform_5(%arg0: i32) -> (i32, i32) {
    %c0_i32 = arith.constant 0 : i32
    %c0_i32_0 = arith.constant 0 : i32
    return %arg0, %c0_i32 : i32, i32
  }
  func.func @transform_6(%arg0: i32) -> (i32, i32) {
    %c0_i32 = arith.constant 0 : i32
    %c0_i32_0 = arith.constant 0 : i32
    return %arg0, %c0_i32 : i32, i32
  }
}

module attributes {stable_mosaic.version = 14 : i64} {
  func.func @_post_body(%arg0: i32, %arg1: memref<1x2000x128xf32, #tpu.memory_space<vmem>>, %arg2: memref<1x2000x128xf32, #tpu.memory_space<vmem>>, %arg3: memref<2000x128xf32, #tpu.memory_space<vmem>>, %arg4: memref<2000x1xf32, #tpu.memory_space<vmem>>, %arg5: memref<1x128xf32, #tpu.memory_space<vmem>>, %arg6: memref<2000x128xf32, #tpu.memory_space<vmem>>, %arg7: memref<1x1x128xf32, #tpu.memory_space<vmem>>) attributes {dimension_semantics = [#tpu.dimension_semantics<arbitrary>], iteration_bounds = array<i64: 5>, scalar_prefetch = 0 : i64, scratch_operands = 0 : i64, tpu.core_type = #tpu.core_type<tc>, window_params = [{transform_indices = @transform_0, window_bounds = array<i64: 1, 2000, 128>}, {transform_indices = @transform_1, window_bounds = array<i64: 1, 2000, 128>}, {transform_indices = @transform_2, window_bounds = array<i64: 2000, 128>}, {transform_indices = @transform_3, window_bounds = array<i64: 2000, 1>}, {pipeline_mode = #tpu.pipeline_mode<synchronous>, transform_indices = @transform_4, window_bounds = array<i64: 1, 128>}, {transform_indices = @transform_5, window_bounds = array<i64: 2000, 128>}, {transform_indices = @transform_6, window_bounds = array<i64: 1, 1, 128>}]} {
    %get3A = arith.constant 0 : index
    %get3A_0 = arith.constant 0 : index
    %get3A_1 = vector.load %arg4[%get3A, %get3A_0] : memref<2000x1xf32, #tpu.memory_space<vmem>>, vector<2000x1xf32>
    %get3A_2 = arith.constant 0 : index
    %get3A_3 = arith.constant 0 : index
    %get3A_4 = arith.constant 0 : index
    %get3A_5 = vector.load %arg1[%get3A_2, %get3A_3, %get3A_4] : memref<1x2000x128xf32, #tpu.memory_space<vmem>>, vector<1x2000x128xf32>
    %get3A_6 = vector.shape_cast %get3A_5 : vector<1x2000x128xf32> to vector<2000x128xf32>
    %get3A_7 = arith.constant 0 : index
    %get3A_8 = arith.constant 0 : index
    %get3A_9 = arith.constant 0 : index
    %get3A_10 = vector.load %arg2[%get3A_7, %get3A_8, %get3A_9] : memref<1x2000x128xf32, #tpu.memory_space<vmem>>, vector<1x2000x128xf32>
    %get3A_11 = vector.shape_cast %get3A_10 : vector<1x2000x128xf32> to vector<2000x128xf32>
    %add3A = arith.addf %get3A_6, %get3A_11 : vector<2000x128xf32>
    %get3A_12 = arith.constant 0 : index
    %get3A_13 = arith.constant 0 : index
    %get3A_14 = vector.load %arg3[%get3A_12, %get3A_13] : memref<2000x128xf32, #tpu.memory_space<vmem>>, vector<2000x128xf32>
    %add3A_15 = arith.addf %add3A, %get3A_14 : vector<2000x128xf32>
    %mul3A = vector.broadcast %get3A_1 : vector<2000x1xf32> to vector<2000x128xf32>
    %mul3A_16 = arith.mulf %mul3A, %add3A_15 : vector<2000x128xf32>
    %get3A_17 = arith.constant 0 : index
    %get3A_18 = arith.constant 0 : index
    %get3A_19 = vector.load %arg5[%get3A_17, %get3A_18] : memref<1x128xf32, #tpu.memory_space<vmem>>, vector<1x128xf32>
    %add3A_20 = vector.broadcast %get3A_19 : vector<1x128xf32> to vector<2000x128xf32>
    %add3A_21 = arith.addf %mul3A_16, %add3A_20 : vector<2000x128xf32>
    %swap3A = arith.constant 0 : index
    %swap3A_22 = arith.constant 0 : index
    %swap3A_23 = vector.load %arg6[%swap3A, %swap3A_22] : memref<2000x128xf32, #tpu.memory_space<vmem>>, vector<2000x128xf32>
    tpu.vector_store %arg6[%swap3A, %swap3A_22], %add3A_21 {strides = array<i32>} : memref<2000x128xf32, #tpu.memory_space<vmem>>, vector<2000x128xf32>,
    %reduce_sum3A = vector.shape_cast %add3A_21 : vector<2000x128xf32> to vector<1x2000x128xf32>
    %reduce_sum3A_24 = arith.constant dense<0.000000e+00> : vector<1xf32>
    %reduce_sum3A_25 = vector.multi_reduction <add>, %reduce_sum3A, %reduce_sum3A_24 [1, 2] : vector<1x2000x128xf32> to vector<1xf32>
    %reduce_sum3A_26 = vector.shape_cast %reduce_sum3A_25 : vector<1xf32> to vector<1x1x1xf32>
    %reduce_sum3A_27 = vector.extract %reduce_sum3A_26[0, 0, 0] : f32 from vector<1x1x1xf32>
    %mul3A_28 = arith.mulf %add3A_21, %add3A_21 : vector<2000x128xf32>
    %reduce_sum3A_29 = vector.shape_cast %mul3A_28 : vector<2000x128xf32> to vector<1x2000x128xf32>
    %reduce_sum3A_30 = arith.constant dense<0.000000e+00> : vector<1xf32>
    %reduce_sum3A_31 = vector.multi_reduction <add>, %reduce_sum3A_29, %reduce_sum3A_30 [1, 2] : vector<1x2000x128xf32> to vector<1xf32>
    %reduce_sum3A_32 = vector.shape_cast %reduce_sum3A_31 : vector<1xf32> to vector<1x1x1xf32>
    %reduce_sum3A_33 = vector.extract %reduce_sum3A_32[0, 0, 0] : f32 from vector<1x1x1xf32>
    %iota3A = tpu.iota {dimensions = array<i32: 1>} : vector<1x128xi32>
    %eq3A = arith.constant 0 : i32
    %eq3A_34 = vector.broadcast %eq3A : i32 to vector<1x128xi32>
    %eq3A_35 = arith.cmpi eq, %iota3A, %eq3A_34 : vector<1x128xi32>
    %jit3A = arith.constant 0.000000e+00 : f32
    %broadcast_in_dim3A = vector.broadcast %reduce_sum3A_27 : f32 to vector<1x128xf32>
    %broadcast_in_dim3A_36 = vector.broadcast %jit3A : f32 to vector<1x128xf32>
    %select_n3A = arith.select %eq3A_35, %broadcast_in_dim3A, %broadcast_in_dim3A_36 : vector<1x128xi1>, vector<1x128xf32>
    %eq3A_37 = arith.constant 1 : i32
    %eq3A_38 = vector.broadcast %eq3A_37 : i32 to vector<1x128xi32>
    %eq3A_39 = arith.cmpi eq, %iota3A, %eq3A_38 : vector<1x128xi32>
    %jit3A_40 = arith.constant 0.000000e+00 : f32
    %broadcast_in_dim3A_41 = vector.broadcast %reduce_sum3A_33 : f32 to vector<1x128xf32>
    %broadcast_in_dim3A_42 = vector.broadcast %jit3A_40 : f32 to vector<1x128xf32>
    %select_n3A_43 = arith.select %eq3A_39, %broadcast_in_dim3A_41, %broadcast_in_dim3A_42 : vector<1x128xi1>, vector<1x128xf32>
    %add3A_44 = arith.addf %select_n3A, %select_n3A_43 : vector<1x128xf32>
    %swap3A_45 = arith.constant 0 : index
    %swap3A_46 = arith.constant 0 : index
    %swap3A_47 = arith.constant 0 : index
    %swap3A_48 = vector.load %arg7[%swap3A_45, %swap3A_46, %swap3A_47] : memref<1x1x128xf32, #tpu.memory_space<vmem>>, vector<1x1x128xf32>
    %swap3A_49 = vector.shape_cast %swap3A_48 : vector<1x1x128xf32> to vector<1x128xf32>
    %swap3A_50 = vector.shape_cast %add3A_44 : vector<1x128xf32> to vector<1x1x128xf32>
    tpu.vector_store %arg7[%swap3A_45, %swap3A_46, %swap3A_47], %swap3A_50 {strides = array<i32>} : memref<1x1x128xf32, #tpu.memory_space<vmem>>, vector<1x1x128xf32>,
    return
  }
  func.func @transform_0(%arg0: i32) -> (i32, i32, i32) {
    %c0_i32 = arith.constant 0 : i32
    %c0_i32_0 = arith.constant 0 : i32
    %c0_i32_1 = arith.constant 0 : i32
    return %c0_i32, %arg0, %c0_i32_0 : i32, i32, i32
  }
  func.func @transform_1(%arg0: i32) -> (i32, i32, i32) {
    %c1_i32 = arith.constant 1 : i32
    %c0_i32 = arith.constant 0 : i32
    %c0_i32_0 = arith.constant 0 : i32
    return %c1_i32, %arg0, %c0_i32 : i32, i32, i32
  }
  func.func @transform_2(%arg0: i32) -> (i32, i32) {
    %c0_i32 = arith.constant 0 : i32
    %c0_i32_0 = arith.constant 0 : i32
    return %arg0, %c0_i32 : i32, i32
  }
  func.func @transform_3(%arg0: i32) -> (i32, i32) {
    %c0_i32 = arith.constant 0 : i32
    %c0_i32_0 = arith.constant 0 : i32
    return %arg0, %c0_i32 : i32, i32
  }
  func.func @transform_4(%arg0: i32) -> (i32, i32) {
    %c0_i32 = arith.constant 0 : i32
    %c0_i32_0 = arith.constant 0 : i32
    %c0_i32_1 = arith.constant 0 : i32
    return %c0_i32, %c0_i32_0 : i32, i32
  }
  func.func @transform_5(%arg0: i32) -> (i32, i32) {
    %c0_i32 = arith.constant 0 : i32
    %c0_i32_0 = arith.constant 0 : i32
    return %arg0, %c0_i32 : i32, i32
  }
  func.func @transform_6(%arg0: i32) -> (i32, i32, i32) {
    %c0_i32 = arith.constant 0 : i32
    %c0_i32_0 = arith.constant 0 : i32
    %c0_i32_1 = arith.constant 0 : i32
    return %arg0, %c0_i32, %c0_i32_0 : i32, i32, i32
  }
}

module attributes {stable_mosaic.version = 14 : i64} {
  func.func @_ln_mm_body(%arg0: i32, %arg1: memref<2000x128xf32, #tpu.memory_space<vmem>>, %arg2: memref<5x1x128xf32, #tpu.memory_space<vmem>>, %arg3: memref<2000x1xf32, #tpu.memory_space<vmem>>, %arg4: memref<1x128xf32, #tpu.memory_space<vmem>>, %arg5: memref<1x128xf32, #tpu.memory_space<vmem>>, %arg6: memref<128x128xf32, #tpu.memory_space<vmem>>, %arg7: memref<2000x128xf32, #tpu.memory_space<vmem>>) attributes {dimension_semantics = [#tpu.dimension_semantics<arbitrary>], iteration_bounds = array<i64: 5>, scalar_prefetch = 0 : i64, scratch_operands = 0 : i64, tpu.core_type = #tpu.core_type<tc>, window_params = [{transform_indices = @transform_0, window_bounds = array<i64: 2000, 128>}, {pipeline_mode = #tpu.pipeline_mode<synchronous>, transform_indices = @transform_1, window_bounds = array<i64: 5, 1, 128>}, {transform_indices = @transform_2, window_bounds = array<i64: 2000, 1>}, {pipeline_mode = #tpu.pipeline_mode<synchronous>, transform_indices = @transform_3, window_bounds = array<i64: 1, 128>}, {pipeline_mode = #tpu.pipeline_mode<synchronous>, transform_indices = @transform_4, window_bounds = array<i64: 1, 128>}, {pipeline_mode = #tpu.pipeline_mode<synchronous>, transform_indices = @transform_5, window_bounds = array<i64: 128, 128>}, {transform_indices = @transform_6, window_bounds = array<i64: 2000, 128>}]} {
    %get3A = arith.constant 0 : index
    %get3A_0 = arith.constant 0 : index
    %get3A_1 = arith.constant 0 : index
    %get3A_2 = vector.load %arg2[%get3A, %get3A_0, %get3A_1] : memref<5x1x128xf32, #tpu.memory_space<vmem>>, vector<5x1x128xf32>
    %slice3A = vector.extract_strided_slice %get3A_2 {offsets = [0, 0, 0], sizes = [5, 1, 1], strides = [1, 1, 1]} : vector<5x1x128xf32> to vector<5x1x1xf32>
    %squeeze3A = vector.shape_cast %slice3A : vector<5x1x1xf32> to vector<5xf32>
    %reduce_sum3A = vector.shape_cast %squeeze3A : vector<5xf32> to vector<1x5xf32>
    %reduce_sum3A_3 = arith.constant dense<0.000000e+00> : vector<1xf32>
    %reduce_sum3A_4 = vector.multi_reduction <add>, %reduce_sum3A, %reduce_sum3A_3 [1] : vector<1x5xf32> to vector<1xf32>
    %reduce_sum3A_5 = vector.shape_cast %reduce_sum3A_4 : vector<1xf32> to vector<1x1xf32>
    %reduce_sum3A_6 = vector.extract %reduce_sum3A_5[0, 0] : f32 from vector<1x1xf32>
    %div3A = arith.constant 1.280000e+06 : f32
    %div3A_7 = arith.divf %reduce_sum3A_6, %div3A : f32
    %slice3A_8 = vector.extract_strided_slice %get3A_2 {offsets = [0, 0, 1], sizes = [5, 1, 1], strides = [1, 1, 1]} : vector<5x1x128xf32> to vector<5x1x1xf32>
    %squeeze3A_9 = vector.shape_cast %slice3A_8 : vector<5x1x1xf32> to vector<5xf32>
    %reduce_sum3A_10 = vector.shape_cast %squeeze3A_9 : vector<5xf32> to vector<1x5xf32>
    %reduce_sum3A_11 = arith.constant dense<0.000000e+00> : vector<1xf32>
    %reduce_sum3A_12 = vector.multi_reduction <add>, %reduce_sum3A_10, %reduce_sum3A_11 [1] : vector<1x5xf32> to vector<1xf32>
    %reduce_sum3A_13 = vector.shape_cast %reduce_sum3A_12 : vector<1xf32> to vector<1x1xf32>
    %reduce_sum3A_14 = vector.extract %reduce_sum3A_13[0, 0] : f32 from vector<1x1xf32>
    %div3A_15 = arith.constant 1.280000e+06 : f32
    %div3A_16 = arith.divf %reduce_sum3A_14, %div3A_15 : f32
    %mul3A = arith.mulf %div3A_7, %div3A_7 : f32
    %sub3A = arith.subf %div3A_16, %mul3A : f32
    %add3A = arith.constant 9.99999974E-6 : f32
    %add3A_17 = arith.addf %sub3A, %add3A : f32
    %rsqrt3A = math.rsqrt %add3A_17 : f32
    %get3A_18 = arith.constant 0 : index
    %get3A_19 = arith.constant 0 : index
    %get3A_20 = vector.load %arg1[%get3A_18, %get3A_19] : memref<2000x128xf32, #tpu.memory_space<vmem>>, vector<2000x128xf32>
    %sub3A_21 = vector.broadcast %div3A_7 : f32 to vector<2000x128xf32>
    %sub3A_22 = arith.subf %get3A_20, %sub3A_21 : vector<2000x128xf32>
    %mul3A_23 = vector.broadcast %rsqrt3A : f32 to vector<2000x128xf32>
    %mul3A_24 = arith.mulf %sub3A_22, %mul3A_23 : vector<2000x128xf32>
    %get3A_25 = arith.constant 0 : index
    %get3A_26 = arith.constant 0 : index
    %get3A_27 = vector.load %arg4[%get3A_25, %get3A_26] : memref<1x128xf32, #tpu.memory_space<vmem>>, vector<1x128xf32>
    %mul3A_28 = vector.broadcast %get3A_27 : vector<1x128xf32> to vector<2000x128xf32>
    %mul3A_29 = arith.mulf %mul3A_24, %mul3A_28 : vector<2000x128xf32>
    %get3A_30 = arith.constant 0 : index
    %get3A_31 = arith.constant 0 : index
    %get3A_32 = vector.load %arg5[%get3A_30, %get3A_31] : memref<1x128xf32, #tpu.memory_space<vmem>>, vector<1x128xf32>
    %add3A_33 = vector.broadcast %get3A_32 : vector<1x128xf32> to vector<2000x128xf32>
    %add3A_34 = arith.addf %mul3A_29, %add3A_33 : vector<2000x128xf32>
    %max3A = arith.constant 0.000000e+00 : f32
    %max3A_35 = vector.broadcast %max3A : f32 to vector<2000x128xf32>
    %max3A_36 = arith.maximumf %add3A_34, %max3A_35 : vector<2000x128xf32>
    %get3A_37 = arith.constant 0 : index
    %get3A_38 = arith.constant 0 : index
    %get3A_39 = vector.load %arg6[%get3A_37, %get3A_38] : memref<128x128xf32, #tpu.memory_space<vmem>>, vector<128x128xf32>
    %dot_general3A = arith.constant dense<0.000000e+00> : vector<2000x128xf32>
    %dot_general3A_40 = tpu.matmul %max3A_36, %get3A_39, %dot_general3A {dimension_numbers = #tpu.dot_dimension_numbers<[1], [0], [0], [1], [0, 0, 1, 1], [], []>, transpose_lhs_hint = false} : vector<2000x128xf32>, vector<128x128xf32>, vector<2000x128xf32> -> vector<2000x128xf32>
    %get3A_41 = arith.constant 0 : index
    %get3A_42 = arith.constant 0 : index
    %get3A_43 = vector.load %arg3[%get3A_41, %get3A_42] : memref<2000x1xf32, #tpu.memory_space<vmem>>, vector<2000x1xf32>
    %mul3A_44 = vector.broadcast %get3A_43 : vector<2000x1xf32> to vector<2000x128xf32>
    %mul3A_45 = arith.mulf %dot_general3A_40, %mul3A_44 : vector<2000x128xf32>
    %swap3A = arith.constant 0 : index
    %swap3A_46 = arith.constant 0 : index
    %swap3A_47 = vector.load %arg7[%swap3A, %swap3A_46] : memref<2000x128xf32, #tpu.memory_space<vmem>>, vector<2000x128xf32>
    tpu.vector_store %arg7[%swap3A, %swap3A_46], %mul3A_45 {strides = array<i32>} : memref<2000x128xf32, #tpu.memory_space<vmem>>, vector<2000x128xf32>,
    return
  }
  func.func @transform_0(%arg0: i32) -> (i32, i32) {
    %c0_i32 = arith.constant 0 : i32
    %c0_i32_0 = arith.constant 0 : i32
    return %arg0, %c0_i32 : i32, i32
  }
  func.func @transform_1(%arg0: i32) -> (i32, i32, i32) {
    %c0_i32 = arith.constant 0 : i32
    %c0_i32_0 = arith.constant 0 : i32
    %c0_i32_1 = arith.constant 0 : i32
    %c0_i32_2 = arith.constant 0 : i32
    return %c0_i32, %c0_i32_0, %c0_i32_1 : i32, i32, i32
  }
  func.func @transform_2(%arg0: i32) -> (i32, i32) {
    %c0_i32 = arith.constant 0 : i32
    %c0_i32_0 = arith.constant 0 : i32
    return %arg0, %c0_i32 : i32, i32
  }
  func.func @transform_3(%arg0: i32) -> (i32, i32) {
    %c0_i32 = arith.constant 0 : i32
    %c0_i32_0 = arith.constant 0 : i32
    %c0_i32_1 = arith.constant 0 : i32
    return %c0_i32, %c0_i32_0 : i32, i32
  }
  func.func @transform_4(%arg0: i32) -> (i32, i32) {
    %c0_i32 = arith.constant 0 : i32
    %c0_i32_0 = arith.constant 0 : i32
    %c0_i32_1 = arith.constant 0 : i32
    return %c0_i32, %c0_i32_0 : i32, i32
  }
  func.func @transform_5(%arg0: i32) -> (i32, i32) {
    %c0_i32 = arith.constant 0 : i32
    %c0_i32_0 = arith.constant 0 : i32
    %c0_i32_1 = arith.constant 0 : i32
    return %c0_i32, %c0_i32_0 : i32, i32
  }
  func.func @transform_6(%arg0: i32) -> (i32, i32) {
    %c0_i32 = arith.constant 0 : i32
    %c0_i32_0 = arith.constant 0 : i32
    return %arg0, %c0_i32 : i32, i32
  }
}

module attributes {stable_mosaic.version = 14 : i64} {
  func.func @_final_body(%arg0: i32, %arg1: memref<2000x128xf32, #tpu.memory_space<vmem>>, %arg2: memref<5x1x128xf32, #tpu.memory_space<vmem>>, %arg3: memref<1x128xf32, #tpu.memory_space<vmem>>, %arg4: memref<1x128xf32, #tpu.memory_space<vmem>>, %arg5: memref<128x40xf32, #tpu.memory_space<vmem>>, %arg6: memref<1x40xf32, #tpu.memory_space<vmem>>, %arg7: memref<2000x40xf32, #tpu.memory_space<vmem>>) attributes {dimension_semantics = [#tpu.dimension_semantics<arbitrary>], iteration_bounds = array<i64: 5>, scalar_prefetch = 0 : i64, scratch_operands = 0 : i64, tpu.core_type = #tpu.core_type<tc>, window_params = [{transform_indices = @transform_0, window_bounds = array<i64: 2000, 128>}, {pipeline_mode = #tpu.pipeline_mode<synchronous>, transform_indices = @transform_1, window_bounds = array<i64: 5, 1, 128>}, {pipeline_mode = #tpu.pipeline_mode<synchronous>, transform_indices = @transform_2, window_bounds = array<i64: 1, 128>}, {pipeline_mode = #tpu.pipeline_mode<synchronous>, transform_indices = @transform_3, window_bounds = array<i64: 1, 128>}, {pipeline_mode = #tpu.pipeline_mode<synchronous>, transform_indices = @transform_4, window_bounds = array<i64: 128, 40>}, {pipeline_mode = #tpu.pipeline_mode<synchronous>, transform_indices = @transform_5, window_bounds = array<i64: 1, 40>}, {transform_indices = @transform_6, window_bounds = array<i64: 2000, 40>}]} {
    %get3A = arith.constant 0 : index
    %get3A_0 = arith.constant 0 : index
    %get3A_1 = arith.constant 0 : index
    %get3A_2 = vector.load %arg2[%get3A, %get3A_0, %get3A_1] : memref<5x1x128xf32, #tpu.memory_space<vmem>>, vector<5x1x128xf32>
    %slice3A = vector.extract_strided_slice %get3A_2 {offsets = [0, 0, 0], sizes = [5, 1, 1], strides = [1, 1, 1]} : vector<5x1x128xf32> to vector<5x1x1xf32>
    %squeeze3A = vector.shape_cast %slice3A : vector<5x1x1xf32> to vector<5xf32>
    %reduce_sum3A = vector.shape_cast %squeeze3A : vector<5xf32> to vector<1x5xf32>
    %reduce_sum3A_3 = arith.constant dense<0.000000e+00> : vector<1xf32>
    %reduce_sum3A_4 = vector.multi_reduction <add>, %reduce_sum3A, %reduce_sum3A_3 [1] : vector<1x5xf32> to vector<1xf32>
    %reduce_sum3A_5 = vector.shape_cast %reduce_sum3A_4 : vector<1xf32> to vector<1x1xf32>
    %reduce_sum3A_6 = vector.extract %reduce_sum3A_5[0, 0] : f32 from vector<1x1xf32>
    %div3A = arith.constant 1.280000e+06 : f32
    %div3A_7 = arith.divf %reduce_sum3A_6, %div3A : f32
    %slice3A_8 = vector.extract_strided_slice %get3A_2 {offsets = [0, 0, 1], sizes = [5, 1, 1], strides = [1, 1, 1]} : vector<5x1x128xf32> to vector<5x1x1xf32>
    %squeeze3A_9 = vector.shape_cast %slice3A_8 : vector<5x1x1xf32> to vector<5xf32>
    %reduce_sum3A_10 = vector.shape_cast %squeeze3A_9 : vector<5xf32> to vector<1x5xf32>
    %reduce_sum3A_11 = arith.constant dense<0.000000e+00> : vector<1xf32>
    %reduce_sum3A_12 = vector.multi_reduction <add>, %reduce_sum3A_10, %reduce_sum3A_11 [1] : vector<1x5xf32> to vector<1xf32>
    %reduce_sum3A_13 = vector.shape_cast %reduce_sum3A_12 : vector<1xf32> to vector<1x1xf32>
    %reduce_sum3A_14 = vector.extract %reduce_sum3A_13[0, 0] : f32 from vector<1x1xf32>
    %div3A_15 = arith.constant 1.280000e+06 : f32
    %div3A_16 = arith.divf %reduce_sum3A_14, %div3A_15 : f32
    %mul3A = arith.mulf %div3A_7, %div3A_7 : f32
    %sub3A = arith.subf %div3A_16, %mul3A : f32
    %add3A = arith.constant 9.99999974E-6 : f32
    %add3A_17 = arith.addf %sub3A, %add3A : f32
    %rsqrt3A = math.rsqrt %add3A_17 : f32
    %get3A_18 = arith.constant 0 : index
    %get3A_19 = arith.constant 0 : index
    %get3A_20 = vector.load %arg1[%get3A_18, %get3A_19] : memref<2000x128xf32, #tpu.memory_space<vmem>>, vector<2000x128xf32>
    %sub3A_21 = vector.broadcast %div3A_7 : f32 to vector<2000x128xf32>
    %sub3A_22 = arith.subf %get3A_20, %sub3A_21 : vector<2000x128xf32>
    %mul3A_23 = vector.broadcast %rsqrt3A : f32 to vector<2000x128xf32>
    %mul3A_24 = arith.mulf %sub3A_22, %mul3A_23 : vector<2000x128xf32>
    %get3A_25 = arith.constant 0 : index
    %get3A_26 = arith.constant 0 : index
    %get3A_27 = vector.load %arg3[%get3A_25, %get3A_26] : memref<1x128xf32, #tpu.memory_space<vmem>>, vector<1x128xf32>
    %mul3A_28 = vector.broadcast %get3A_27 : vector<1x128xf32> to vector<2000x128xf32>
    %mul3A_29 = arith.mulf %mul3A_24, %mul3A_28 : vector<2000x128xf32>
    %get3A_30 = arith.constant 0 : index
    %get3A_31 = arith.constant 0 : index
    %get3A_32 = vector.load %arg4[%get3A_30, %get3A_31] : memref<1x128xf32, #tpu.memory_space<vmem>>, vector<1x128xf32>
    %add3A_33 = vector.broadcast %get3A_32 : vector<1x128xf32> to vector<2000x128xf32>
    %add3A_34 = arith.addf %mul3A_29, %add3A_33 : vector<2000x128xf32>
    %max3A = arith.constant 0.000000e+00 : f32
    %max3A_35 = vector.broadcast %max3A : f32 to vector<2000x128xf32>
    %max3A_36 = arith.maximumf %add3A_34, %max3A_35 : vector<2000x128xf32>
    %get3A_37 = arith.constant 0 : index
    %get3A_38 = arith.constant 0 : index
    %get3A_39 = vector.load %arg5[%get3A_37, %get3A_38] : memref<128x40xf32, #tpu.memory_space<vmem>>, vector<128x40xf32>
    %dot_general3A = arith.constant dense<0.000000e+00> : vector<2000x40xf32>
    %dot_general3A_40 = tpu.matmul %max3A_36, %get3A_39, %dot_general3A {dimension_numbers = #tpu.dot_dimension_numbers<[1], [0], [0], [1], [0, 0, 1, 1], [], []>, transpose_lhs_hint = false} : vector<2000x128xf32>, vector<128x40xf32>, vector<2000x40xf32> -> vector<2000x40xf32>
    %get3A_41 = arith.constant 0 : index
    %get3A_42 = arith.constant 0 : index
    %get3A_43 = vector.load %arg6[%get3A_41, %get3A_42] : memref<1x40xf32, #tpu.memory_space<vmem>>, vector<1x40xf32>
    %add3A_44 = vector.broadcast %get3A_43 : vector<1x40xf32> to vector<2000x40xf32>
    %add3A_45 = arith.addf %dot_general3A_40, %add3A_44 : vector<2000x40xf32>
    %reduce_max3A = arith.constant dense<0xFF800000> : vector<2000xf32>
    %reduce_max3A_46 = vector.multi_reduction <maximumf>, %add3A_45, %reduce_max3A [1] : vector<2000x40xf32> to vector<2000xf32>
    %broadcast_in_dim3A = vector.shape_cast %reduce_max3A_46 : vector<2000xf32> to vector<2000x1xf32>
    %sub3A_47 = vector.broadcast %broadcast_in_dim3A : vector<2000x1xf32> to vector<2000x40xf32>
    %sub3A_48 = arith.subf %add3A_45, %sub3A_47 : vector<2000x40xf32>
    %exp3A = math.exp %sub3A_48 : vector<2000x40xf32>
    %reduce_sum3A_49 = arith.constant dense<0.000000e+00> : vector<2000xf32>
    %reduce_sum3A_50 = vector.multi_reduction <add>, %exp3A, %reduce_sum3A_49 [1] : vector<2000x40xf32> to vector<2000xf32>
    %broadcast_in_dim3A_51 = vector.shape_cast %reduce_sum3A_50 : vector<2000xf32> to vector<2000x1xf32>
    %div3A_52 = vector.broadcast %broadcast_in_dim3A_51 : vector<2000x1xf32> to vector<2000x40xf32>
    %div3A_53 = arith.divf %exp3A, %div3A_52 : vector<2000x40xf32>
    %swap3A = arith.constant 0 : index
    %swap3A_54 = arith.constant 0 : index
    %swap3A_55 = vector.load %arg7[%swap3A, %swap3A_54] : memref<2000x40xf32, #tpu.memory_space<vmem>>, vector<2000x40xf32>
    tpu.vector_store %arg7[%swap3A, %swap3A_54], %div3A_53 {strides = array<i32>} : memref<2000x40xf32, #tpu.memory_space<vmem>>, vector<2000x40xf32>,
    return
  }
  func.func @transform_0(%arg0: i32) -> (i32, i32) {
    %c0_i32 = arith.constant 0 : i32
    %c0_i32_0 = arith.constant 0 : i32
    return %arg0, %c0_i32 : i32, i32
  }
  func.func @transform_1(%arg0: i32) -> (i32, i32, i32) {
    %c0_i32 = arith.constant 0 : i32
    %c0_i32_0 = arith.constant 0 : i32
    %c0_i32_1 = arith.constant 0 : i32
    %c0_i32_2 = arith.constant 0 : i32
    return %c0_i32, %c0_i32_0, %c0_i32_1 : i32, i32, i32
  }
  func.func @transform_2(%arg0: i32) -> (i32, i32) {
    %c0_i32 = arith.constant 0 : i32
    %c0_i32_0 = arith.constant 0 : i32
    %c0_i32_1 = arith.constant 0 : i32
    return %c0_i32, %c0_i32_0 : i32, i32
  }
  func.func @transform_3(%arg0: i32) -> (i32, i32) {
    %c0_i32 = arith.constant 0 : i32
    %c0_i32_0 = arith.constant 0 : i32
    %c0_i32_1 = arith.constant 0 : i32
    return %c0_i32, %c0_i32_0 : i32, i32
  }
  func.func @transform_4(%arg0: i32) -> (i32, i32) {
    %c0_i32 = arith.constant 0 : i32
    %c0_i32_0 = arith.constant 0 : i32
    %c0_i32_1 = arith.constant 0 : i32
    return %c0_i32, %c0_i32_0 : i32, i32
  }
  func.func @transform_5(%arg0: i32) -> (i32, i32) {
    %c0_i32 = arith.constant 0 : i32
    %c0_i32_0 = arith.constant 0 : i32
    %c0_i32_1 = arith.constant 0 : i32
    return %c0_i32, %c0_i32_0 : i32, i32
  }
  func.func @transform_6(%arg0: i32) -> (i32, i32) {
    %c0_i32 = arith.constant 0 : i32
    %c0_i32_0 = arith.constant 0 : i32
    return %arg0, %c0_i32 : i32, i32
  }
}

</mosaic_0001>

<sc_bundles>
// kernel: kernel.11.cloned.1.call-start
scs
__scs_entry_jumppad:
0x0: {  	(pc) =	sbr.rel $0x88, $3  }
0x1: {  	(tag) =	ssettag $0x0;
	lr =	simm.s32 $0x1  }
0x2: {  	[smem:$0x3F93] =	sst lr;
	_ =	strace $0xD0000000  }
0x3: {  	_ = 	snop  }
0x4: {  	_ = 	snop  }
0x5: {  	_ = 	snop  }
0x6: {  	_ = 	snop  }
0x7: {  	_ = 	snop  }
__scs_overlays_trampoline_lowered:
0x8: {  	[smem:$0x3FA2] =	sst s0  }
0x9: {  	[smem:$0x3FA3] =	sst s1  }
0xa: {  	[smem:$0x3FA4] =	sst s2  }
0xb: {  	[smem:$0x3FA5] =	sst s3  }
0xc: {  	[smem:$0x3FA6] =	sst s4  }
0xd: {  	[smem:$0x3FA7] =	sst s5  }
0xe: {  	[smem:$0x3FA8] =	sst s6  }
0xf: {  	[smem:$0x3FA9] =	sst s7  }
0x10: {  	[smem:$0x3FAA] =	sst s8  }
0x11: {  	[smem:$0x3FAB] =	sst s9;
	s0 =	simm.s32 @!p0 $0x0  }
0x12: {  	s1 =	sld [smem:$0x3F91];
	s0 =	simm.s32 @p0 $0x1  }
0x13: {  	[smem:$0x3FAC] =	sst s0;
	s0 =	simm.s32 @!p1 $0x0  }
0x14: {  	s2 =	sld [smem:$0x3F90];
	s0 =	simm.s32 @p1 $0x1  }
0x15: {  	[smem:$0x3FAD] =	sst s0;
	s0 =	simm.s32 @!p2 $0x0  }
0x16: {  	s3 =	sld [smem:$0x3FDB];
	s0 =	simm.s32 @p2 $0x1  }
0x17: {  	s4 =	simm.s32 $0x1BF5;
	[smem:$0x3FAF] =	sst s0  }
0x18: {  	s0 =	sld [smem:$0x3F92];
	_ =	swait.ge [sflag:s4], $0x0  }
0x19: {  	s7 =	sld [smem:$0x3F93]  }
0x1a: {  	s8 =	sadd.s32 $0xFFFFE003, lr  }
0x1b: {  	s9 =	sadd.s32 $0xFFFFFEF7, lr;
	s5 =	simm.s32 $0xFFFFFFFF;
	p2 =	slt.u32 s8, $0xFFFFF086  }
0x1c: {  	p1 =	slt.u32 s9, $0xF7A;
	s5 =	simm.s32 @!p2 $0x0  }
0x1d: {  	s5 =	simm.s32 @p1 $0x1;
	p0 =	seq.s32 s7, s2  }
0x1e: {  	s7 =	smul.u32 @!p0 $0xF7A, s2;
	p2 =	seq.s32 @!p0 s5, $0x0  }
0x1f: {  	s9 =	smul.u32 $0xF7A, s1;
	s8 =	simm.s32 @!p0 $0x1BF5;
	p2 =	por !p2, p0  }
0x20: {  	[sflag:s8] =	ssyncset.s32 @!p0 $0xFFFFF086;
	s6 =	sadd.s32 @!p0 s3, s7;
	s7 =	simm.s32 @!p0 $0x108  }
0x21: {  	s3 =	sadd.s32 s3, s9;
	s6 =	sadd.s32 @!p0 $0x88, s6;
	s7 =	simm.s32 @p2 $0x1082  }
0x22: {  	[simem:s7], [sflag:s8] =	dma.local @!p0 [hbm:s6], $0xF7A  }
0x23: {  	s9 =	sor.u32 $0xD0000000, s2;
	s6 =	simm.s32 $0x108;
	_ =	swait.ge @!p0 [sflag:s8], $0x0  }
0x24: {  	s3 =	sadd.s32 $0x88, s3;
	s6 =	simm.s32 @!p1 $0x1082;
	[sflag:s4] =	ssyncset.s32 $0xFFFFF086  }
0x25: {  	[simem:s6], [sflag:s4] =	dma.local [hbm:s3], $0xF7A  }
0x26: {  	[smem:$0x3F93] =	sst s1;
	(tag) =	ssettag s2;
	_ =	strace s9  }
0x27: {  	s1 =	sld [smem:$0x3FA3]  }
0x28: {  	s2 =	sld [smem:$0x3FA4]  }
0x29: {  	s4 =	sld [smem:$0x3FA6]  }
0x2a: {  	p0 =	seq.s32 s5, $0x0;
	s5 =	sld [smem:$0x3FA7]  }
0x2b: {  	s6 =	sld [smem:$0x3FA8]  }
0x2c: {  	s7 =	sld [smem:$0x3FA9]  }
0x2d: {  	s3 =	simm.s32 $0x108;
	s8 =	sld [smem:$0x3FAA]  }
0x2e: {  	s3 =	simm.s32 @!p0 $0x1082;
	s9 =	sld [smem:$0x3FAB]  }
0x2f: {  	lr =	sadd.s32 s0, s3;
	s0 =	sld [smem:$0x3FA2]  }
0x30: {  	s3 =	sld [smem:$0x3FA5]  }
0x31: {  	[smem:$0x3FAE] =	sst s10  }
0x32: {  	s10 =	sld [smem:$0x3FAC];
	_ =	sdelay $0x3  }
0x33: {  	p0 =	seq.s32 s10, $0x1;
	s10 =	sld [smem:$0x3FAE];
	_ =	sdelay $0x3  }
0x34: {  	[smem:$0x3FAE] =	sst s10  }
0x35: {  	s10 =	sld [smem:$0x3FAD];
	_ =	sdelay $0x3  }
0x36: {  	p1 =	seq.s32 s10, $0x1;
	s10 =	sld [smem:$0x3FAE];
	_ =	sdelay $0x3  }
0x37: {  	[smem:$0x3FAE] =	sst s10  }
0x38: {  	s10 =	sld [smem:$0x3FAF]  }
0x39: {  	_ = 	snop;
	(pc) =	sbr.ind lr, $3  }
0x3a: {  	_ = 	snop  }
0x3b: {  	_ = 	snop  }
0x3c: {  	p2 =	seq.s32 s10, $0x1;
	s10 =	sld [smem:$0x3FAE]  }
0x3d: {  	_ =	shalt  }
0x3e: {  	_ =	shalt  }
0x3f: {  	_ =	shalt  }
0x40: {  	_ =	shalt  }
0x41: {  	_ =	shalt  }
0x42: {  	_ =	shalt  }
0x43: {  	_ =	shalt  }
0x44: {  	_ =	shalt  }
0x45: {  	_ =	shalt  }
0x46: {  	_ =	shalt  }
0x47: {  	_ =	shalt  }
0x48: {  	_ =	shalt  }
0x49: {  	_ =	shalt  }
0x4a: {  	_ =	shalt  }
0x4b: {  	_ =	shalt  }
0x4c: {  	_ =	shalt  }
0x4d: {  	_ =	shalt  }
0x4e: {  	_ =	shalt  }
0x4f: {  	_ =	shalt  }
0x50: {  	_ =	shalt  }
0x51: {  	_ =	shalt  }
0x52: {  	_ =	shalt  }
0x53: {  	_ =	shalt  }
0x54: {  	_ =	shalt  }
0x55: {  	_ =	shalt  }
0x56: {  	_ =	shalt  }
0x57: {  	_ =	shalt  }
0x58: {  	_ =	shalt  }
0x59: {  	_ =	shalt  }
0x5a: {  	_ =	shalt  }
0x5b: {  	_ =	shalt  }
0x5c: {  	_ =	shalt  }
0x5d: {  	_ =	shalt  }
0x5e: {  	_ =	shalt  }
0x5f: {  	_ =	shalt  }
0x60: {  	_ =	shalt  }
0x61: {  	_ =	shalt  }
0x62: {  	_ =	shalt  }
0x63: {  	_ =	shalt  }
0x64: {  	_ =	shalt  }
0x65: {  	_ =	shalt  }
0x66: {  	_ =	shalt  }
0x67: {  	_ =	shalt  }
0x68: {  	_ =	shalt  }
0x69: {  	_ =	shalt  }
0x6a: {  	_ =	shalt  }
0x6b: {  	_ =	shalt  }
0x6c: {  	_ =	shalt  }
0x6d: {  	_ =	shalt  }
0x6e: {  	_ =	shalt  }
0x6f: {  	_ =	shalt  }
0x70: {  	_ =	shalt  }
0x71: {  	_ =	shalt  }
0x72: {  	_ =	shalt  }
0x73: {  	_ =	shalt  }
0x74: {  	_ =	shalt  }
0x75: {  	_ =	shalt  }
0x76: {  	_ =	shalt  }
0x77: {  	_ =	shalt  }
0x78: {  	_ =	shalt  }
0x79: {  	_ =	shalt  }
0x7a: {  	_ =	shalt  }
0x7b: {  	_ =	shalt  }
0x7c: {  	_ =	shalt  }
0x7d: {  	_ =	shalt  }
0x7e: {  	_ =	shalt  }
0x7f: {  	_ =	shalt  }
0x80: {  	_ =	shalt  }
0x81: {  	_ =	shalt  }
0x82: {  	_ =	shalt  }
0x83: {  	_ =	shalt  }
0x84: {  	_ =	shalt  }
0x85: {  	_ =	shalt  }
0x86: {  	_ =	shalt  }
0x87: {  	_ =	shalt  }
.Lfunc_end0:
.L_simem_size_0:
called_computation_lowered:
.L_overlay_start_0:
0x88: {  	s2 =	sld [smem:$0x3FD9]  }
0x89: {  	s3 =	sld [smem:$0x3FFE];
	_ =	sdelay $0x1  }
0x8a: {  	s1 =	srdreg.scid  }
0x8b: {  	s0 =	sand.u32 $0x1, s1  }
0x8c: {  	s17 =	sshll.u32 s0, $0xA;
	s2 =	sadd.s32 s3, s2  }
0x8d: {  	s2 =	sadd.s32 s2, s17  }
0x8e: {  	[smem:$0x3FBA] =	sst s2  }
0x8f: {  	_ = 	snop  }
0x90: {  	s2 =	sld [smem:$0x3FD0];
	(tm) =	ssettm $0x1  }
0x91: {  	s18 =	sld [smem:$0x3FFB];
	_ =	sdelay $0x3  }
0x92: {  	_ =	strace s18  }
0x93: {  	s3 =	sld [smem:$0x3FFC];
	_ =	sdelay $0x3  }
0x94: {  	_ =	strace s3  }
0x95: {  	s3 =	sld [smem:$0x3FFD];
	_ =	sdelay $0x3  }
0x96: {  	_ =	strace s3  }
0x97: {  	_ =	strace $0x8FFFFFFF  }
0x98: {  	s19 =	sld [smem:$0x3FDB];
	_ =	sdelay $0x1  }
0x99: {  	s4 =	simm.s32 $_scs_section_size  }
0x9a: {  	s5 =	simm.s32 $_size__tile_overlayer_lowered;
	s6 =	simm.s32 $_tile_overlayer_lowered  }
0x9b: {  	s22 =	simm.s32 $0x1BFF;
	s21 =	sshll.u32 s6, $0x1;
	s3 =	sadd.s32 s4, s19  }
0x9c: {  	s7 =	simm.s32 $0x0;
	s20 =	sshll.u32 s5, $0x1;
	s5 =	sadd.s32 s21, s3  }
0x9d: {  	[timem:s7], [sflag:s22] =	dma.local [hbm:s5], s20  }
0x9e: {  	_ =	swait.ge [sflag:s22], s20  }
0x9f: {  	s4 =	ssub.s32 $0x0, s20;
	[sflag:s22] =	ssyncset.done $0x0  }
0xa0: {  	[sflag:s22] =	ssyncadd.s32 s4;
	_ =	sdelay $0x1  }
0xa1: {  	s23 =	simm.s32 $0x1B8B  }
0xa2: {  	_ =	swait.ge [sflag:s23], $0x1  }
0xa3: {  	[sflag:s23] =	ssyncset.done $0x0  }
0xa4: {  	s25 =	simm.s32 $0x1B8E;
	s24 =	sld [smem:$0x3FFE];
	[sflag:s23] =	ssyncadd.s32 $0xFFFFFFFF  }
0xa5: {  	s26 =	simm.s32 $execute0_lowered;
	[smem:$0x3FD2] =	sst s25  }
0xa6: {  	s5 =	sshll.u32 s26, $0x1;
	_ =	strace $0x80000046;
	[dreg:$0x1] =	wrdreg $0xFFFFFFFF  }
0xa7: {  	s28 =	simm.s32 $_size_execute0_lowered;
	s3 =	sadd.s32 s3, s5;
	[dreg:$0x0] =	wrdreg $0x0  }
0xa8: {  	s5 =	sshll.u32 s28, $0x1;
	[dreg:$0x2] =	wrdreg s3  }
0xa9: {  	[dreg:$0x3] =	wrdreg s5  }
0xaa: {  	[dreg:$0x4] =	wrdreg $0xC0  }
0xab: {  	_ =	task [dreg:s7], $0x5FFFF  }
0xac: {  	[dreg:$0x1] =	wrdreg $0xFFFFFFFF  }
0xad: {  	[dreg:$0x0] =	wrdreg $0x60  }
0xae: {  	[dreg:$0x2] =	wrdreg s2  }
0xaf: {  	[dreg:$0x3] =	wrdreg s24  }
0xb0: {  	[dreg:$0x4] =	wrdreg $0x9  }
0xb1: {  	_ =	task.clear_ibuf [dreg:s7], $0x5FFFF;
	_ =	strace $0x90000046  }
0xb2: {  	s29 =	simm.s32 $0x9;
	_ =	strace $0x80000048  }
0xb3: {  	_ =	swait.ge [sflag:s29], $0x1  }
0xb4: {  	[sflag:s29] =	ssyncadd.s32 $0xFFFFFFFF  }
0xb5: {  	_ =	strace $0x90000048  }
0xb6: {  	_ =	sfence  }
0xb7: {  	s30 =	sld [smem:$0x0];
	_ =	sdelay $0x2  }
0xb8: {  	s31 =	sshll.u32 s1, $0xD;
	s1 =	sshrl.u32 s1, $0x2  }
0xb9: {  	s3 =	sand.u32 $0x4000, s31;
	s1 =	sadd.s32 s1, s30  }
0xba: {  	s0 =	sor.u32 s3, s0;
	s1 =	sshll.u32 s1, $0x11  }
0xbb: {  	s0 =	sor.u32 s1, s0  }
0xbc: {  	s0 =	sadd.s32 $0x8F2B, s0  }
0xbd: {  	[sflag:s0] =	ssyncadd.remote.s32 $0x1  }
0xbe: {  	_ =	sfence.sel $0xFFFF  }
0xbf: {  	[dreg:$0x0] =	wrdreg $0xFFFFFFFF;
	(pc) =	sbr.abs _section_cstart, $3  }
0xc0: {  	[dreg:$0x1] =	wrdreg $0xFFFFFFFF  }
0xc1: {  	_ =	task.clear_ibuf [dreg:s7], $0x2FFFF;
	_ =	strace $0x9FFFFFFF  }
0xc2: {  	(tm) =	ssettm $0x7FFFFFFF  }
0xc3: {  	_ =	shalt  }
tec
execute0_lowered:
.L_overlay_start_1:
0x0: {  	(tag) =	ssettag $0x1  }
0x1: {  	s3 =	rddreg [dreg:$0x0];
	s1 =	srdreg.scid  }
0x2: {  	s0 =	stileid.u32;
	s4 =	rddreg [dreg:$0x1]  }
0x3: {  	s8 =	simm.s32 $0x0;
	s5 =	sand.u32 $0x1, s1;
	s2 =	sshll.u32 s0, $0x1  }
0x4: {  	s6 =	sor.u32 s5, s2;
	s2 =	simm.s32 $0x0;
	s5 =	ssub.s32 $0x2, s5  }
0x5: {  	s6 =	smul.u32 $0x500, s6;
	[smem:$0x7FF] =	sst s2;
	s7 =	sshrl.u32 s5, $0x1  }
0x6: {  	s1 =	rddreg [dreg:$0x2];
	_ =	strace $0x80000047;
	s5 =	ssub.s32 s5, s7  }
0x7: {  	s7 =	simm.s32 $0x2800;
	s4 =	sadd.s32 s6, s4;
	s3 =	sadd.s32 s3, s6  }
0x8: {  	v0 =	vimm.f32 $0.0e+00;
	v1 =	vimm.f32 $1.000000000e+00;
	s5 =	smax.u32 s5, $0x1;
	s6 =	simm.s32 $0x1;
	s4 =	sadd.s32 $0x3800, s4  }
.LBB2_1:
0x9: {  	s9 =	simm.s32 $0x40;
	s10 =	simm.s32 $0x0  }
.LBB2_2:
0xa: {  	p0 =	sne.s32 s9, $0x9FC0;
	[tilespmem:s10+$0x2800] =	vst v0;
	s10 =	smov.u32 s9;
	s9 =	sadd.s32 $0x40, s9  }
.Ltmp0:
0xb: {  	(pc) =	sbr.rel @p0 .LBB2_2-.Ltmp0, $2  }
0xc: {  	_ =	sdelay $0x2  }
0xd: {  	s10 =	sshra.s32 s10, $0x2  }
0xe: {  	[tilespmem:s10+$0x2800] =	vst v0;
	s9 =	simm.s32 $0x0  }
0xf: {  	[tilespmem:s9], [sflag:$0x1] =	stream.linear.gather [hbm4b:s3+s9], $0x2800, $0x38;
	[tilespmem:$0x5000] =	vst v63  }
0x10: {  	_ =	swait.ge [sflag:s6], $0x2800  }
0x11: {  	[sflag:s6] =	ssyncset.done $0x0  }
0x12: {  	s10 =	simm.s32 $0x0;
	s9 =	simm.s32 $0x40;
	[sflag:s6] =	ssyncadd.s32 $0xFFFFD800  }
.LBB2_4:
0x13: {  	p0 =	sne.s32 s9, $0x9FC0;
	v2 =	vld [tilespmem:s10+$0x0];
	_ =	sdelay $0x3  }
.Ltmp1:
0x14: {  	(pc) =	sbr.rel @p0 .LBB2_4-.Ltmp1, $2  }
0x15: {  	_ =	sdelay $0x2  }
0x16: {  	s10 =	sshra.s32 s9, $0x2;
	s9 =	sadd.s32 $0x40, s9;
	[tilespmem:v2+s7+$0x0] =	vst.idx.add.f32.msk $0xffff, v1  }
0x17: {  	v2 =	vld [tilespmem:s10+$0x0];
	_ =	sdelay $0x5  }
0x18: {  	s8 =	sadd.s32 $0x1, s8  }
0x19: {  	p0 =	sne.s32 s8, s5  }
.Ltmp2:
0x1a: {  	[tilespmem:v2+s7+$0x0] =	vst.idx.add.f32.msk $0xffff, v1;
	(pc) =	sbr.rel @p0 .LBB2_1-.Ltmp2, $4  }
0x1b: {  	[hbm4b:s4+s2] =	stream.linear.scatter [tilespmem:s7], [sflag:$0x1], $0x2800, $0x38;
	[tilespmem:$0x5000] =	vst v63  }
0x1c: {  	_ =	swait.ge [sflag:s6], $0x2800  }
0x1d: {  	[sflag:s6] =	ssyncset.done $0x0  }
0x1e: {  	[sflag:s6] =	ssyncadd.s32 $0xFFFFD800  }
0x1f: {  	_ =	sfence.sel $0x180000  }
0x20: {  	[bflag:$0x0] =	sbarrier.arrive $0xFFFF  }
0x21: {  	p0 =	sne.s32 s0, $0x0;
	_ =	strace $0x90000047  }
0x22: {  	s0 =	sadd.s32 @!p0 $0x100000, s1;
	[bflag:$0x2] =	sbarrier.arrive $0xFFFF  }
0x23: {  	[sflag:s0] =	ssyncadd.tile.s32 @!p0 $0x1;
	_ =	shalt  }
.Lfunc_end2:
_tile_overlayer_lowered:
.L_overlay_start_2:
0x24: {  	(tag) =	ssettag $0x2  }
0x25: {  	s0 =	rddreg [dreg:$0x0];
	s2 =	stileid.u32  }
0x26: {  	s1 =	rddreg [dreg:$0x1];
	p0 =	sne.s32 s2, $0x0  }
0x27: {  	s3 =	rddreg [dreg:$0x2];
	[bflag:$0x3] =	sbarrier.arrive $0xFFFF;
	s2 =	simm.s32 @!p0 $0x1C01  }
0x28: {  	[timem:s3], [sflag:s2] =	dma.local @!p0 [hbm:s0], s1  }
0x29: {  	s0 =	simm.s32 @!p0 $0x1  }
0x2a: {  	_ =	swait.ge @!p0 [sflag:s0], s1  }
0x2b: {  	s1 =	ssub.s32 @!p0 $0x0, s1;
	[sflag:s0] =	ssyncset.done @!p0 $0x0  }
0x2c: {  	[sflag:s0] =	ssyncadd.s32 @!p0 s1  }
0x2d: {  	[bflag:$0x3] =	sbarrier.arrive $0xFFFF  }
0x2e: {  	_ =	shalt  }

// kernel: kernel.14.cloned.1.call-start
scs
__scs_entry_jumppad:
0x0: {  	(pc) =	sbr.rel $0x88, $3  }
0x1: {  	(tag) =	ssettag $0x0;
	lr =	simm.s32 $0x1  }
0x2: {  	[smem:$0x3F93] =	sst lr;
	_ =	strace $0xD0000000  }
0x3: {  	_ = 	snop  }
0x4: {  	_ = 	snop  }
0x5: {  	_ = 	snop  }
0x6: {  	_ = 	snop  }
0x7: {  	_ = 	snop  }
__scs_overlays_trampoline_lowered:
0x8: {  	[smem:$0x3FA2] =	sst s0  }
0x9: {  	[smem:$0x3FA3] =	sst s1  }
0xa: {  	[smem:$0x3FA4] =	sst s2  }
0xb: {  	[smem:$0x3FA5] =	sst s3  }
0xc: {  	[smem:$0x3FA6] =	sst s4  }
0xd: {  	[smem:$0x3FA7] =	sst s5  }
0xe: {  	[smem:$0x3FA8] =	sst s6  }
0xf: {  	[smem:$0x3FA9] =	sst s7  }
0x10: {  	[smem:$0x3FAA] =	sst s8  }
0x11: {  	[smem:$0x3FAB] =	sst s9;
	s0 =	simm.s32 @!p0 $0x0  }
0x12: {  	s1 =	sld [smem:$0x3F91];
	s0 =	simm.s32 @p0 $0x1  }
0x13: {  	[smem:$0x3FAC] =	sst s0;
	s0 =	simm.s32 @!p1 $0x0  }
0x14: {  	s2 =	sld [smem:$0x3F90];
	s0 =	simm.s32 @p1 $0x1  }
0x15: {  	[smem:$0x3FAD] =	sst s0;
	s0 =	simm.s32 @!p2 $0x0  }
0x16: {  	s3 =	sld [smem:$0x3FDB];
	s0 =	simm.s32 @p2 $0x1  }
0x17: {  	s4 =	simm.s32 $0x1BF5;
	[smem:$0x3FAF] =	sst s0  }
0x18: {  	s0 =	sld [smem:$0x3F92];
	_ =	swait.ge [sflag:s4], $0x0  }
0x19: {  	s7 =	sld [smem:$0x3F93]  }
0x1a: {  	s8 =	sadd.s32 $0xFFFFE003, lr  }
0x1b: {  	s9 =	sadd.s32 $0xFFFFFEF7, lr;
	s5 =	simm.s32 $0xFFFFFFFF;
	p2 =	slt.u32 s8, $0xFFFFF086  }
0x1c: {  	p1 =	slt.u32 s9, $0xF7A;
	s5 =	simm.s32 @!p2 $0x0  }
0x1d: {  	s5 =	simm.s32 @p1 $0x1;
	p0 =	seq.s32 s7, s2  }
0x1e: {  	s7 =	smul.u32 @!p0 $0xF7A, s2;
	p2 =	seq.s32 @!p0 s5, $0x0  }
0x1f: {  	s9 =	smul.u32 $0xF7A, s1;
	s8 =	simm.s32 @!p0 $0x1BF5;
	p2 =	por !p2, p0  }
0x20: {  	[sflag:s8] =	ssyncset.s32 @!p0 $0xFFFFF086;
	s6 =	sadd.s32 @!p0 s3, s7;
	s7 =	simm.s32 @!p0 $0x108  }
0x21: {  	s3 =	sadd.s32 s3, s9;
	s6 =	sadd.s32 @!p0 $0x88, s6;
	s7 =	simm.s32 @p2 $0x1082  }
0x22: {  	[simem:s7], [sflag:s8] =	dma.local @!p0 [hbm:s6], $0xF7A  }
0x23: {  	s9 =	sor.u32 $0xD0000000, s2;
	s6 =	simm.s32 $0x108;
	_ =	swait.ge @!p0 [sflag:s8], $0x0  }
0x24: {  	s3 =	sadd.s32 $0x88, s3;
	s6 =	simm.s32 @!p1 $0x1082;
	[sflag:s4] =	ssyncset.s32 $0xFFFFF086  }
0x25: {  	[simem:s6], [sflag:s4] =	dma.local [hbm:s3], $0xF7A  }
0x26: {  	[smem:$0x3F93] =	sst s1;
	(tag) =	ssettag s2;
	_ =	strace s9  }
0x27: {  	s1 =	sld [smem:$0x3FA3]  }
0x28: {  	s2 =	sld [smem:$0x3FA4]  }
0x29: {  	s4 =	sld [smem:$0x3FA6]  }
0x2a: {  	p0 =	seq.s32 s5, $0x0;
	s5 =	sld [smem:$0x3FA7]  }
0x2b: {  	s6 =	sld [smem:$0x3FA8]  }
0x2c: {  	s7 =	sld [smem:$0x3FA9]  }
0x2d: {  	s3 =	simm.s32 $0x108;
	s8 =	sld [smem:$0x3FAA]  }
0x2e: {  	s3 =	simm.s32 @!p0 $0x1082;
	s9 =	sld [smem:$0x3FAB]  }
0x2f: {  	lr =	sadd.s32 s0, s3;
	s0 =	sld [smem:$0x3FA2]  }
0x30: {  	s3 =	sld [smem:$0x3FA5]  }
0x31: {  	[smem:$0x3FAE] =	sst s10  }
0x32: {  	s10 =	sld [smem:$0x3FAC];
	_ =	sdelay $0x3  }
0x33: {  	p0 =	seq.s32 s10, $0x1;
	s10 =	sld [smem:$0x3FAE];
	_ =	sdelay $0x3  }
0x34: {  	[smem:$0x3FAE] =	sst s10  }
0x35: {  	s10 =	sld [smem:$0x3FAD];
	_ =	sdelay $0x3  }
0x36: {  	p1 =	seq.s32 s10, $0x1;
	s10 =	sld [smem:$0x3FAE];
	_ =	sdelay $0x3  }
0x37: {  	[smem:$0x3FAE] =	sst s10  }
0x38: {  	s10 =	sld [smem:$0x3FAF]  }
0x39: {  	_ = 	snop;
	(pc) =	sbr.ind lr, $3  }
0x3a: {  	_ = 	snop  }
0x3b: {  	_ = 	snop  }
0x3c: {  	p2 =	seq.s32 s10, $0x1;
	s10 =	sld [smem:$0x3FAE]  }
0x3d: {  	_ =	shalt  }
0x3e: {  	_ =	shalt  }
0x3f: {  	_ =	shalt  }
0x40: {  	_ =	shalt  }
0x41: {  	_ =	shalt  }
0x42: {  	_ =	shalt  }
0x43: {  	_ =	shalt  }
0x44: {  	_ =	shalt  }
0x45: {  	_ =	shalt  }
0x46: {  	_ =	shalt  }
0x47: {  	_ =	shalt  }
0x48: {  	_ =	shalt  }
0x49: {  	_ =	shalt  }
0x4a: {  	_ =	shalt  }
0x4b: {  	_ =	shalt  }
0x4c: {  	_ =	shalt  }
0x4d: {  	_ =	shalt  }
0x4e: {  	_ =	shalt  }
0x4f: {  	_ =	shalt  }
0x50: {  	_ =	shalt  }
0x51: {  	_ =	shalt  }
0x52: {  	_ =	shalt  }
0x53: {  	_ =	shalt  }
0x54: {  	_ =	shalt  }
0x55: {  	_ =	shalt  }
0x56: {  	_ =	shalt  }
0x57: {  	_ =	shalt  }
0x58: {  	_ =	shalt  }
0x59: {  	_ =	shalt  }
0x5a: {  	_ =	shalt  }
0x5b: {  	_ =	shalt  }
0x5c: {  	_ =	shalt  }
0x5d: {  	_ =	shalt  }
0x5e: {  	_ =	shalt  }
0x5f: {  	_ =	shalt  }
0x60: {  	_ =	shalt  }
0x61: {  	_ =	shalt  }
0x62: {  	_ =	shalt  }
0x63: {  	_ =	shalt  }
0x64: {  	_ =	shalt  }
0x65: {  	_ =	shalt  }
0x66: {  	_ =	shalt  }
0x67: {  	_ =	shalt  }
0x68: {  	_ =	shalt  }
0x69: {  	_ =	shalt  }
0x6a: {  	_ =	shalt  }
0x6b: {  	_ =	shalt  }
0x6c: {  	_ =	shalt  }
0x6d: {  	_ =	shalt  }
0x6e: {  	_ =	shalt  }
0x6f: {  	_ =	shalt  }
0x70: {  	_ =	shalt  }
0x71: {  	_ =	shalt  }
0x72: {  	_ =	shalt  }
0x73: {  	_ =	shalt  }
0x74: {  	_ =	shalt  }
0x75: {  	_ =	shalt  }
0x76: {  	_ =	shalt  }
0x77: {  	_ =	shalt  }
0x78: {  	_ =	shalt  }
0x79: {  	_ =	shalt  }
0x7a: {  	_ =	shalt  }
0x7b: {  	_ =	shalt  }
0x7c: {  	_ =	shalt  }
0x7d: {  	_ =	shalt  }
0x7e: {  	_ =	shalt  }
0x7f: {  	_ =	shalt  }
0x80: {  	_ =	shalt  }
0x81: {  	_ =	shalt  }
0x82: {  	_ =	shalt  }
0x83: {  	_ =	shalt  }
0x84: {  	_ =	shalt  }
0x85: {  	_ =	shalt  }
0x86: {  	_ =	shalt  }
0x87: {  	_ =	shalt  }
.Lfunc_end0:
.L_simem_size_0:
called_computation.1_lowered:
.L_overlay_start_0:
0x88: {  	s2 =	sld [smem:$0x3FD9]  }
0x89: {  	s3 =	sld [smem:$0x3FFE];
	_ =	sdelay $0x1  }
0x8a: {  	s1 =	srdreg.scid  }
0x8b: {  	s0 =	sand.u32 $0x1, s1  }
0x8c: {  	s16 =	sshll.u32 s0, $0xA;
	s2 =	sadd.s32 s3, s2  }
0x8d: {  	s2 =	sadd.s32 s2, s16  }
0x8e: {  	[smem:$0x3FBA] =	sst s2  }
0x8f: {  	_ = 	snop  }
0x90: {  	(tm) =	ssettm $0x1  }
0x91: {  	s17 =	sld [smem:$0x3FFB];
	_ =	sdelay $0x3  }
0x92: {  	_ =	strace s17  }
0x93: {  	s2 =	sld [smem:$0x3FFC];
	_ =	sdelay $0x3  }
0x94: {  	_ =	strace s2  }
0x95: {  	s2 =	sld [smem:$0x3FFD];
	_ =	sdelay $0x3  }
0x96: {  	_ =	strace s2  }
0x97: {  	_ =	strace $0x8FFFFFFF  }
0x98: {  	s18 =	sld [smem:$0x3FDB];
	_ =	sdelay $0x1  }
0x99: {  	s19 =	simm.s32 $_scs_section_size  }
0x9a: {  	s4 =	simm.s32 $_size__tile_overlayer_lowered;
	s5 =	simm.s32 $_tile_overlayer_lowered  }
0x9b: {  	s22 =	simm.s32 $0x1BFF;
	s21 =	sshll.u32 s5, $0x1;
	s2 =	sadd.s32 s19, s18  }
0x9c: {  	s6 =	simm.s32 $0x0;
	s20 =	sshll.u32 s4, $0x1;
	s4 =	sadd.s32 s21, s2  }
0x9d: {  	[timem:s6], [sflag:s22] =	dma.local [hbm:s4], s20  }
0x9e: {  	_ =	swait.ge [sflag:s22], s20  }
0x9f: {  	s3 =	ssub.s32 $0x0, s20;
	[sflag:s22] =	ssyncset.done $0x0  }
0xa0: {  	[sflag:s22] =	ssyncadd.s32 s3;
	_ =	sdelay $0x1  }
0xa1: {  	s23 =	simm.s32 $0x1B8B  }
0xa2: {  	_ =	swait.ge [sflag:s23], $0x1  }
0xa3: {  	[sflag:s23] =	ssyncset.done $0x0  }
0xa4: {  	s25 =	simm.s32 $0x1B8E;
	s24 =	sld [smem:$0x3FFE];
	[sflag:s23] =	ssyncadd.s32 $0xFFFFFFFF  }
0xa5: {  	s26 =	simm.s32 $execute0_lowered;
	[smem:$0x3FD2] =	sst s25  }
0xa6: {  	s4 =	sshll.u32 s26, $0x1;
	_ =	strace $0x80000049;
	[dreg:$0x1] =	wrdreg $0xFFFFFFFF  }
0xa7: {  	s28 =	simm.s32 $_size_execute0_lowered;
	s2 =	sadd.s32 s2, s4;
	[dreg:$0x0] =	wrdreg $0x0  }
0xa8: {  	s4 =	sshll.u32 s28, $0x1;
	[dreg:$0x2] =	wrdreg s2  }
0xa9: {  	[dreg:$0x3] =	wrdreg s4  }
0xaa: {  	[dreg:$0x4] =	wrdreg $0xC0  }
0xab: {  	_ =	task [dreg:s6], $0x5FFFF  }
0xac: {  	[dreg:$0x1] =	wrdreg $0xFFFFFFFF  }
0xad: {  	[dreg:$0x0] =	wrdreg $0x60  }
0xae: {  	[dreg:$0x2] =	wrdreg s24  }
0xaf: {  	[dreg:$0x3] =	wrdreg $0xA8000  }
0xb0: {  	[dreg:$0x4] =	wrdreg $0x9  }
0xb1: {  	_ =	task.clear_ibuf [dreg:s6], $0x5FFFF;
	_ =	strace $0x90000049  }
0xb2: {  	s29 =	simm.s32 $0x9;
	_ =	strace $0x8000004B  }
0xb3: {  	_ =	swait.ge [sflag:s29], $0x1  }
0xb4: {  	[sflag:s29] =	ssyncadd.s32 $0xFFFFFFFF  }
0xb5: {  	_ =	strace $0x9000004B  }
0xb6: {  	_ =	sfence  }
0xb7: {  	s30 =	sld [smem:$0x0];
	_ =	sdelay $0x2  }
0xb8: {  	s31 =	sshll.u32 s1, $0xD;
	s1 =	sshrl.u32 s1, $0x2  }
0xb9: {  	s3 =	sand.u32 $0x4000, s31;
	s1 =	sadd.s32 s1, s30  }
0xba: {  	s0 =	sor.u32 s3, s0;
	s1 =	sshll.u32 s1, $0x11  }
0xbb: {  	s0 =	sor.u32 s1, s0  }
0xbc: {  	s0 =	sadd.s32 $0x8F2B, s0  }
0xbd: {  	[sflag:s0] =	ssyncadd.remote.s32 $0x1  }
0xbe: {  	_ =	sfence.sel $0xFFFF  }
0xbf: {  	[dreg:$0x0] =	wrdreg $0xFFFFFFFF;
	(pc) =	sbr.abs _section_cstart, $3  }
0xc0: {  	[dreg:$0x1] =	wrdreg $0xFFFFFFFF  }
0xc1: {  	_ =	task.clear_ibuf [dreg:s6], $0x2FFFF;
	_ =	strace $0x9FFFFFFF  }
0xc2: {  	(tm) =	ssettm $0x7FFFFFFF  }
0xc3: {  	_ =	shalt  }
tec
execute0_lowered:
.L_overlay_start_1:
0x0: {  	(tag) =	ssettag $0x1  }
0x1: {  	s5 =	rddreg [dreg:$0x0];
	s0 =	srdreg.scid  }
0x2: {  	s2 =	rddreg [dreg:$0x1];
	s1 =	stileid.u32  }
0x3: {  	s3 =	simm.s32 $0x0;
	s17 =	simm.s32 $0x3;
	s18 =	simm.s32 $0x1400  }
0x4: {  	s19 =	simm.s32 $0x80;
	s20 =	simm.s32 $0x1;
	s21 =	simm.s32 $0x6800  }
0x5: {  	s22 =	simm.s32 $0x2;
	s23 =	simm.s32 $0x1380;
	s24 =	simm.s32 $0x2700  }
0x6: {  	s25 =	simm.s32 $0x2780;
	s6 =	sand.u32 $0x1, s0;
	s0 =	rddreg [dreg:$0x2]  }
0x7: {  	s8 =	smul.u32 $0x14000, s1;
	[smem:$0x7FF] =	sst s3;
	s4 =	sadd.s32 $0x21800, s5  }
0x8: {  	s12 =	sadd.s32 $0x17800, s5;
	s26 =	smul.u32 $0x50000, s1;
	s28 =	sshll.u32 s1, $0x1  }
0x9: {  	s13 =	sadd.s32 $0xD800, s5;
	s7 =	smul.u32 $0x140000, s6;
	s9 =	sor.u32 s6, s28  }
0xa: {  	_ =	strace $0x8000004A;
	s29 =	ssub.s32 $0x2, s6;
	s10 =	smul.u32 $0x2800, s9  }
0xb: {  	s31 =	sshrl.u32 s29, $0x1;
	s11 =	smul.u32 $0x500, s9;
	s7 =	sadd.s32 s8, s7  }
0xc: {  	s30 =	sshrl.u32 s26, $0x2;
	s15 =	ssub.s32 s29, s31;
	s7 =	sshrl.u32 s7, $0x3  }
0xd: {  	s16 =	sshrl.u32 s10, $0x3;
	s10 =	sadd.s32 s12, s11;
	s11 =	sadd.s32 s13, s11  }
0xe: {  	s15 =	smax.u32 s15, $0x1;
	s14 =	sadd.s32 s7, s5;
	s5 =	sadd.s32 s30, s2  }
0xf: {  	s16 =	sadd.s32 $0x280, s16;
	s6 =	sadd.s32 $0x4000, s5;
	s7 =	sadd.s32 $0x8000, s5  }
0x10: {  	s8 =	sadd.s32 $0xC000, s5;
	s9 =	sadd.s32 $0x10000, s5;
	s12 =	sadd.s32 s12, s16  }
0x11: {  	v0 =	vimm.f32 $0.0e+00;
	s13 =	sadd.s32 s13, s16;
	s14 =	sadd.s32 $0x48A00, s14;
	s16 =	simm.s32 $0x2800  }
.LBB2_1:
0x12: {  	s26 =	simm.s32 $0x0;
	s28 =	simm.s32 $0x200  }
.LBB2_2:
0x13: {  	p0 =	sne.s32 s28, $0xFE00;
	[tilespmem:s26+$0x2870] =	vst v0  }
0x14: {  	[tilespmem:s26+$0x2800] =	vst v0  }
0x15: {  	[tilespmem:s26+$0x2810] =	vst v0  }
.Ltmp0:
0x16: {  	[tilespmem:s26+$0x2820] =	vst v0;
	(pc) =	sbr.rel @p0 .LBB2_2-.Ltmp0, $4  }
0x17: {  	[tilespmem:s26+$0x2830] =	vst v0  }
0x18: {  	[tilespmem:s26+$0x2840] =	vst v0  }
0x19: {  	[tilespmem:s26+$0x2850] =	vst v0  }
0x1a: {  	[tilespmem:s26+$0x2860] =	vst v0;
	s26 =	sshra.s32 s28, $0x2;
	s28 =	sadd.s32 $0x200, s28  }
0x1b: {  	[tilespmem:s26+$0x2870] =	vst v0  }
0x1c: {  	[tilespmem:s26+$0x2800] =	vst v0  }
0x1d: {  	[tilespmem:s26+$0x2810] =	vst v0  }
0x1e: {  	[tilespmem:s26+$0x2820] =	vst v0  }
0x1f: {  	[tilespmem:s26+$0x2830] =	vst v0  }
0x20: {  	[tilespmem:s26+$0x2840] =	vst v0  }
0x21: {  	[tilespmem:s26+$0x2850] =	vst v0  }
0x22: {  	[tilespmem:s26+$0x2860] =	vst v0  }
0x23: {  	[spmem:s5] =	stream.linear.scatter [tilespmem:s16], [sflag:$0x3], $0x4000, $0x38;
	[tilespmem:$0x1E800] =	vst v63  }
0x24: {  	_ =	swait.ge [sflag:s17], $0x4000  }
0x25: {  	[sflag:s17] =	ssyncset.done $0x0  }
0x26: {  	[sflag:s17] =	ssyncadd.s32 $0xFFFFC000  }
0x27: {  	[spmem:s6] =	stream.linear.scatter [tilespmem:s16], [sflag:$0x3], $0x4000, $0x38;
	[tilespmem:$0x1E800] =	vst v63  }
0x28: {  	_ =	swait.ge [sflag:s17], $0x4000  }
0x29: {  	[sflag:s17] =	ssyncset.done $0x0  }
0x2a: {  	[sflag:s17] =	ssyncadd.s32 $0xFFFFC000  }
0x2b: {  	[spmem:s7] =	stream.linear.scatter [tilespmem:s16], [sflag:$0x3], $0x4000, $0x38;
	[tilespmem:$0x1E800] =	vst v63  }
0x2c: {  	_ =	swait.ge [sflag:s17], $0x4000  }
0x2d: {  	[sflag:s17] =	ssyncset.done $0x0  }
0x2e: {  	[sflag:s17] =	ssyncadd.s32 $0xFFFFC000  }
0x2f: {  	[spmem:s8] =	stream.linear.scatter [tilespmem:s16], [sflag:$0x3], $0x4000, $0x38;
	[tilespmem:$0x1E800] =	vst v63  }
0x30: {  	_ =	swait.ge [sflag:s17], $0x4000  }
0x31: {  	[sflag:s17] =	ssyncset.done $0x0  }
0x32: {  	[sflag:s17] =	ssyncadd.s32 $0xFFFFC000  }
0x33: {  	[spmem:s9] =	stream.linear.scatter [tilespmem:s16], [sflag:$0x3], $0x4000, $0x38;
	[tilespmem:$0x1E800] =	vst v63  }
0x34: {  	_ =	swait.ge [sflag:s17], $0x4000  }
0x35: {  	[sflag:s17] =	ssyncset.done $0x0  }
0x36: {  	[sflag:s17] =	ssyncadd.s32 $0xFFFFC000  }
0x37: {  	s31 =	simm.s32 $0x0;
	[bflag:$0x0] =	sbarrier.arrive $0xFFFF  }
0x38: {  	[tilespmem:s31], [sflag:$0x3] =	stream.linear.gather [hbm4b:s10+s31], $0x1400, $0x38;
	[tilespmem:$0x1E800] =	vst v63  }
0x39: {  	_ =	swait.ge [sflag:s17], $0x1400  }
0x3a: {  	[sflag:s17] =	ssyncset.done $0x0  }
0x3b: {  	[sflag:s17] =	ssyncadd.s32 $0xFFFFEC00  }
0x3c: {  	[tilespmem:s18], [sflag:$0x3] =	stream.linear.gather [hbm4b:s11+s31], $0x1400, $0x38;
	[tilespmem:$0x1E800] =	vst v63  }
0x3d: {  	_ =	swait.ge [sflag:s17], $0x1400  }
0x3e: {  	[sflag:s17] =	ssyncset.done $0x0  }
0x3f: {  	[sflag:s17] =	ssyncadd.s32 $0xFFFFEC00  }
0x40: {  	[tilespmem:s16], [sflag:$0x1] =	stream.indirect.gather [hbm4b:s4+s19], $0x80, s31, s19, $0xb8;
	[tilespmem:$0x1E800] =	vst v63  }
0x41: {  	_ =	swait.ge [sflag:s20], $0x4000  }
0x42: {  	[sflag:s20] =	ssyncset.done $0x0  }
0x43: {  	s28 =	simm.s32 $0x80;
	[sflag:s20] =	ssyncadd.s32 $0xFFFFC000  }
0x44: {  	[tilespmem:s21], [sflag:$0x2] =	stream.indirect.gather [hbm4b:s4+s19], $0x80, s28, s19, $0xb8;
	[tilespmem:$0x1E800] =	vst v63  }
0x45: {  	s29 =	simm.s32 $0x1400  }
0x46: {  	[spmem:s2] =	stream.indirect.scatter.add.f32 [tilespmem:s16], [sflag:$0x3], $0x80, s29, s19, $0xb8;
	[tilespmem:$0x1E800] =	vst v63  }
0x47: {  	_ =	swait.ge [sflag:s17], $0x4000  }
0x48: {  	[sflag:s17] =	ssyncset.done $0x0  }
0x49: {  	[sflag:s17] =	ssyncadd.s32 $0xFFFFC000  }
0x4a: {  	_ =	swait.ge [sflag:s22], $0x4000  }
0x4b: {  	[sflag:s22] =	ssyncset.done $0x0  }
0x4c: {  	s30 =	simm.s32 $0x100;
	[sflag:s22] =	ssyncadd.s32 $0xFFFFC000  }
0x4d: {  	[tilespmem:s16], [sflag:$0x1] =	stream.indirect.gather [hbm4b:s4+s19], $0x80, s30, s19, $0xb8;
	[tilespmem:$0x1E800] =	vst v63  }
0x4e: {  	s31 =	simm.s32 $0x1480  }
0x4f: {  	[spmem:s2] =	stream.indirect.scatter.add.f32 [tilespmem:s21], [sflag:$0x3], $0x80, s31, s19, $0xb8;
	[tilespmem:$0x1E800] =	vst v63  }
0x50: {  	_ =	swait.ge [sflag:s17], $0x4000  }
0x51: {  	s26 =	simm.s32 $0x400;
	[sflag:s17] =	ssyncset.done $0x0  }
.LBB2_4:
0x52: {  	p0 =	sne.s32 s26, $0x4800  }
0x53: {  	[sflag:s17] =	ssyncadd.s32 $0xFFFFC000;
	s28 =	smov.u32 s26;
	s26 =	sadd.s32 $0x400, s26  }
0x54: {  	_ = 	snop  }
0x55: {  	_ =	swait.ge [sflag:s20], $0x4000  }
0x56: {  	s28 =	sshra.s32 s28, $0x2;
	[sflag:s20] =	ssyncset.done $0x0  }
0x57: {  	s29 =	sadd.s32 $0x80, s28;
	[sflag:s20] =	ssyncadd.s32 $0xFFFFC000  }
0x58: {  	[tilespmem:s21], [sflag:$0x2] =	stream.indirect.gather [hbm4b:s4+s19], $0x80, s29, s19, $0xb8;
	[tilespmem:$0x1E800] =	vst v63  }
0x59: {  	s29 =	sadd.s32 $0x1400, s28  }
0x5a: {  	[spmem:s2] =	stream.indirect.scatter.add.f32 [tilespmem:s16], [sflag:$0x3], $0x80, s29, s19, $0xb8;
	[tilespmem:$0x1E800] =	vst v63  }
0x5b: {  	_ =	swait.ge [sflag:s17], $0x4000  }
0x5c: {  	[sflag:s17] =	ssyncset.done $0x0  }
0x5d: {  	[sflag:s17] =	ssyncadd.s32 $0xFFFFC000  }
0x5e: {  	_ =	swait.ge [sflag:s22], $0x4000  }
0x5f: {  	[sflag:s22] =	ssyncset.done $0x0  }
0x60: {  	s29 =	sadd.s32 $0x100, s28;
	[sflag:s22] =	ssyncadd.s32 $0xFFFFC000  }
0x61: {  	[tilespmem:s16], [sflag:$0x1] =	stream.indirect.gather [hbm4b:s4+s19], $0x80, s29, s19, $0xb8;
	[tilespmem:$0x1E800] =	vst v63  }
.Ltmp1:
0x62: {  	_ = 	snop;
	(pc) =	sbr.rel @p0 .LBB2_4-.Ltmp1, $4  }
0x63: {  	s28 =	sadd.s32 $0x1480, s28  }
0x64: {  	[spmem:s2] =	stream.indirect.scatter.add.f32 [tilespmem:s21], [sflag:$0x3], $0x80, s28, s19, $0xb8;
	[tilespmem:$0x1E800] =	vst v63  }
0x65: {  	_ =	swait.ge [sflag:s17], $0x4000  }
0x66: {  	[sflag:s17] =	ssyncset.done $0x0  }
0x67: {  	[sflag:s17] =	ssyncadd.s32 $0xFFFFC000  }
0x68: {  	_ =	swait.ge [sflag:s20], $0x4000  }
0x69: {  	[sflag:s20] =	ssyncset.done $0x0  }
0x6a: {  	[sflag:s20] =	ssyncadd.s32 $0xFFFFC000  }
0x6b: {  	[tilespmem:s21], [sflag:$0x2] =	stream.indirect.gather [hbm4b:s4+s19], $0x80, s23, s19, $0xb8;
	[tilespmem:$0x1E800] =	vst v63  }
0x6c: {  	_ = 	snop  }
0x6d: {  	[spmem:s2] =	stream.indirect.scatter.add.f32 [tilespmem:s16], [sflag:$0x3], $0x80, s24, s19, $0xb8;
	[tilespmem:$0x1E800] =	vst v63  }
0x6e: {  	_ =	swait.ge [sflag:s17], $0x4000  }
0x6f: {  	[sflag:s17] =	ssyncset.done $0x0  }
0x70: {  	[sflag:s17] =	ssyncadd.s32 $0xFFFFC000  }
0x71: {  	_ =	swait.ge [sflag:s22], $0x4000  }
0x72: {  	[sflag:s22] =	ssyncset.done $0x0  }
0x73: {  	[sflag:s22] =	ssyncadd.s32 $0xFFFFC000  }
0x74: {  	[spmem:s2] =	stream.indirect.scatter.add.f32 [tilespmem:s21], [sflag:$0x3], $0x80, s25, s19, $0xb8;
	[tilespmem:$0x1E800] =	vst v63  }
0x75: {  	_ =	swait.ge [sflag:s17], $0x4000  }
0x76: {  	[sflag:s17] =	ssyncset.done $0x0  }
0x77: {  	s26 =	simm.s32 $0x0;
	[sflag:s17] =	ssyncadd.s32 $0xFFFFC000  }
0x78: {  	[tilespmem:s26], [sflag:$0x3] =	stream.linear.gather [hbm4b:s12+s26], $0x1400, $0x38;
	[tilespmem:$0x1E800] =	vst v63  }
0x79: {  	_ =	swait.ge [sflag:s17], $0x1400  }
0x7a: {  	[sflag:s17] =	ssyncset.done $0x0  }
0x7b: {  	[sflag:s17] =	ssyncadd.s32 $0xFFFFEC00  }
0x7c: {  	[tilespmem:s18], [sflag:$0x3] =	stream.linear.gather [hbm4b:s13+s26], $0x1400, $0x38;
	[tilespmem:$0x1E800] =	vst v63  }
0x7d: {  	_ =	swait.ge [sflag:s17], $0x1400  }
0x7e: {  	[sflag:s17] =	ssyncset.done $0x0  }
0x7f: {  	[sflag:s17] =	ssyncadd.s32 $0xFFFFEC00  }
0x80: {  	[tilespmem:s16], [sflag:$0x1] =	stream.indirect.gather [hbm4b:s4+s19], $0x80, s26, s19, $0xb8;
	[tilespmem:$0x1E800] =	vst v63  }
0x81: {  	_ =	swait.ge [sflag:s20], $0x4000  }
0x82: {  	[sflag:s20] =	ssyncset.done $0x0  }
0x83: {  	s28 =	simm.s32 $0x80;
	[sflag:s20] =	ssyncadd.s32 $0xFFFFC000  }
0x84: {  	[tilespmem:s21], [sflag:$0x2] =	stream.indirect.gather [hbm4b:s4+s19], $0x80, s28, s19, $0xb8;
	[tilespmem:$0x1E800] =	vst v63  }
0x85: {  	s29 =	simm.s32 $0x1400  }
0x86: {  	[spmem:s2] =	stream.indirect.scatter.add.f32 [tilespmem:s16], [sflag:$0x3], $0x80, s29, s19, $0xb8;
	[tilespmem:$0x1E800] =	vst v63  }
0x87: {  	_ =	swait.ge [sflag:s17], $0x4000  }
0x88: {  	[sflag:s17] =	ssyncset.done $0x0  }
0x89: {  	[sflag:s17] =	ssyncadd.s32 $0xFFFFC000  }
0x8a: {  	_ =	swait.ge [sflag:s22], $0x4000  }
0x8b: {  	[sflag:s22] =	ssyncset.done $0x0  }
0x8c: {  	s30 =	simm.s32 $0x100;
	[sflag:s22] =	ssyncadd.s32 $0xFFFFC000  }
0x8d: {  	[tilespmem:s16], [sflag:$0x1] =	stream.indirect.gather [hbm4b:s4+s19], $0x80, s30, s19, $0xb8;
	[tilespmem:$0x1E800] =	vst v63  }
0x8e: {  	s31 =	simm.s32 $0x1480  }
0x8f: {  	[spmem:s2] =	stream.indirect.scatter.add.f32 [tilespmem:s21], [sflag:$0x3], $0x80, s31, s19, $0xb8;
	[tilespmem:$0x1E800] =	vst v63  }
0x90: {  	_ =	swait.ge [sflag:s17], $0x4000  }
0x91: {  	s26 =	simm.s32 $0x400;
	[sflag:s17] =	ssyncset.done $0x0  }
.LBB2_6:
0x92: {  	p0 =	sne.s32 s26, $0x4800  }
0x93: {  	[sflag:s17] =	ssyncadd.s32 $0xFFFFC000;
	s28 =	smov.u32 s26;
	s26 =	sadd.s32 $0x400, s26  }
0x94: {  	_ = 	snop  }
0x95: {  	_ =	swait.ge [sflag:s20], $0x4000  }
0x96: {  	s28 =	sshra.s32 s28, $0x2;
	[sflag:s20] =	ssyncset.done $0x0  }
0x97: {  	s29 =	sadd.s32 $0x80, s28;
	[sflag:s20] =	ssyncadd.s32 $0xFFFFC000  }
0x98: {  	[tilespmem:s21], [sflag:$0x2] =	stream.indirect.gather [hbm4b:s4+s19], $0x80, s29, s19, $0xb8;
	[tilespmem:$0x1E800] =	vst v63  }
0x99: {  	s29 =	sadd.s32 $0x1400, s28  }
0x9a: {  	[spmem:s2] =	stream.indirect.scatter.add.f32 [tilespmem:s16], [sflag:$0x3], $0x80, s29, s19, $0xb8;
	[tilespmem:$0x1E800] =	vst v63  }
0x9b: {  	_ =	swait.ge [sflag:s17], $0x4000  }
0x9c: {  	[sflag:s17] =	ssyncset.done $0x0  }
0x9d: {  	[sflag:s17] =	ssyncadd.s32 $0xFFFFC000  }
0x9e: {  	_ =	swait.ge [sflag:s22], $0x4000  }
0x9f: {  	[sflag:s22] =	ssyncset.done $0x0  }
0xa0: {  	s29 =	sadd.s32 $0x100, s28;
	[sflag:s22] =	ssyncadd.s32 $0xFFFFC000  }
0xa1: {  	[tilespmem:s16], [sflag:$0x1] =	stream.indirect.gather [hbm4b:s4+s19], $0x80, s29, s19, $0xb8;
	[tilespmem:$0x1E800] =	vst v63  }
.Ltmp2:
0xa2: {  	_ = 	snop;
	(pc) =	sbr.rel @p0 .LBB2_6-.Ltmp2, $4  }
0xa3: {  	s28 =	sadd.s32 $0x1480, s28  }
0xa4: {  	[spmem:s2] =	stream.indirect.scatter.add.f32 [tilespmem:s21], [sflag:$0x3], $0x80, s28, s19, $0xb8;
	[tilespmem:$0x1E800] =	vst v63  }
0xa5: {  	_ =	swait.ge [sflag:s17], $0x4000  }
0xa6: {  	[sflag:s17] =	ssyncset.done $0x0  }
0xa7: {  	[sflag:s17] =	ssyncadd.s32 $0xFFFFC000  }
0xa8: {  	_ =	swait.ge [sflag:s20], $0x4000  }
0xa9: {  	[sflag:s20] =	ssyncset.done $0x0  }
0xaa: {  	[sflag:s20] =	ssyncadd.s32 $0xFFFFC000  }
0xab: {  	[tilespmem:s21], [sflag:$0x2] =	stream.indirect.gather [hbm4b:s4+s19], $0x80, s23, s19, $0xb8;
	[tilespmem:$0x1E800] =	vst v63  }
0xac: {  	_ = 	snop  }
0xad: {  	[spmem:s2] =	stream.indirect.scatter.add.f32 [tilespmem:s16], [sflag:$0x3], $0x80, s24, s19, $0xb8;
	[tilespmem:$0x1E800] =	vst v63  }
0xae: {  	_ =	swait.ge [sflag:s17], $0x4000  }
0xaf: {  	[sflag:s17] =	ssyncset.done $0x0  }
0xb0: {  	[sflag:s17] =	ssyncadd.s32 $0xFFFFC000  }
0xb1: {  	_ =	swait.ge [sflag:s22], $0x4000  }
0xb2: {  	[sflag:s22] =	ssyncset.done $0x0  }
0xb3: {  	[sflag:s22] =	ssyncadd.s32 $0xFFFFC000  }
0xb4: {  	[spmem:s2] =	stream.indirect.scatter.add.f32 [tilespmem:s21], [sflag:$0x3], $0x80, s25, s19, $0xb8;
	[tilespmem:$0x1E800] =	vst v63  }
0xb5: {  	_ =	swait.ge [sflag:s17], $0x4000  }
0xb6: {  	s26 =	sshll.u32 s1, $0x6;
	s3 =	sadd.s32 $0x1, s3;
	[sflag:s17] =	ssyncset.done $0x0  }
0xb7: {  	s28 =	sshrl.u32 s5, $0x3;
	p0 =	sne.s32 s3, s15;
	[sflag:s17] =	ssyncadd.s32 $0xFFFFC000  }
.Ltmp3:
0xb8: {  	s26 =	sor.u32 $0x1C03, s26;
	[bflag:$0x0] =	sbarrier.arrive $0xFFFF;
	(pc) =	sbr.rel @p0 .LBB2_1-.Ltmp3, $4  }
0xb9: {  	[hbm:s14], [sflag:s26] =	dma.local [spmem:s28], $0x2800  }
0xba: {  	_ =	swait.ge [sflag:s17], $0x2800  }
0xbb: {  	[sflag:s17] =	ssyncset.done $0x0  }
0xbc: {  	[sflag:s17] =	ssyncadd.s32 $0xFFFFD800  }
0xbd: {  	_ =	sfence.sel $0x180000  }
0xbe: {  	[bflag:$0x0] =	sbarrier.arrive $0xFFFF  }
0xbf: {  	p0 =	sne.s32 s1, $0x0;
	_ =	strace $0x9000004A  }
0xc0: {  	s0 =	sadd.s32 @!p0 $0x100000, s0;
	[bflag:$0x2] =	sbarrier.arrive $0xFFFF  }
0xc1: {  	[sflag:s0] =	ssyncadd.tile.s32 @!p0 $0x1;
	_ =	shalt  }
.Lfunc_end2:
_tile_overlayer_lowered:
.L_overlay_start_2:
0xc2: {  	(tag) =	ssettag $0x2  }
0xc3: {  	s0 =	rddreg [dreg:$0x0];
	s2 =	stileid.u32  }
0xc4: {  	s1 =	rddreg [dreg:$0x1];
	p0 =	sne.s32 s2, $0x0  }
0xc5: {  	s3 =	rddreg [dreg:$0x2];
	[bflag:$0x3] =	sbarrier.arrive $0xFFFF;
	s2 =	simm.s32 @!p0 $0x1C03  }
0xc6: {  	[timem:s3], [sflag:s2] =	dma.local @!p0 [hbm:s0], s1  }
0xc7: {  	s0 =	simm.s32 @!p0 $0x3  }
0xc8: {  	_ =	swait.ge @!p0 [sflag:s0], s1  }
0xc9: {  	s1 =	ssub.s32 @!p0 $0x0, s1;
	[sflag:s0] =	ssyncset.done @!p0 $0x0  }
0xca: {  	[sflag:s0] =	ssyncadd.s32 @!p0 s1  }
0xcb: {  	[bflag:$0x3] =	sbarrier.arrive $0xFFFF  }
0xcc: {  	_ =	shalt  }

// kernel: kernel.17.cloned.1.call-start
scs
__scs_entry_jumppad:
0x0: {  	(pc) =	sbr.rel $0x88, $3  }
0x1: {  	(tag) =	ssettag $0x0;
	lr =	simm.s32 $0x1  }
0x2: {  	[smem:$0x3F93] =	sst lr;
	_ =	strace $0xD0000000  }
0x3: {  	_ = 	snop  }
0x4: {  	_ = 	snop  }
0x5: {  	_ = 	snop  }
0x6: {  	_ = 	snop  }
0x7: {  	_ = 	snop  }
__scs_overlays_trampoline_lowered:
0x8: {  	[smem:$0x3FA2] =	sst s0  }
0x9: {  	[smem:$0x3FA3] =	sst s1  }
0xa: {  	[smem:$0x3FA4] =	sst s2  }
0xb: {  	[smem:$0x3FA5] =	sst s3  }
0xc: {  	[smem:$0x3FA6] =	sst s4  }
0xd: {  	[smem:$0x3FA7] =	sst s5  }
0xe: {  	[smem:$0x3FA8] =	sst s6  }
0xf: {  	[smem:$0x3FA9] =	sst s7  }
0x10: {  	[smem:$0x3FAA] =	sst s8  }
0x11: {  	[smem:$0x3FAB] =	sst s9;
	s0 =	simm.s32 @!p0 $0x0  }
0x12: {  	s1 =	sld [smem:$0x3F91];
	s0 =	simm.s32 @p0 $0x1  }
0x13: {  	[smem:$0x3FAC] =	sst s0;
	s0 =	simm.s32 @!p1 $0x0  }
0x14: {  	s2 =	sld [smem:$0x3F90];
	s0 =	simm.s32 @p1 $0x1  }
0x15: {  	[smem:$0x3FAD] =	sst s0;
	s0 =	simm.s32 @!p2 $0x0  }
0x16: {  	s3 =	sld [smem:$0x3FDB];
	s0 =	simm.s32 @p2 $0x1  }
0x17: {  	s4 =	simm.s32 $0x1BF5;
	[smem:$0x3FAF] =	sst s0  }
0x18: {  	s0 =	sld [smem:$0x3F92];
	_ =	swait.ge [sflag:s4], $0x0  }
0x19: {  	s7 =	sld [smem:$0x3F93]  }
0x1a: {  	s8 =	sadd.s32 $0xFFFFE003, lr  }
0x1b: {  	s9 =	sadd.s32 $0xFFFFFEF7, lr;
	s5 =	simm.s32 $0xFFFFFFFF;
	p2 =	slt.u32 s8, $0xFFFFF086  }
0x1c: {  	p1 =	slt.u32 s9, $0xF7A;
	s5 =	simm.s32 @!p2 $0x0  }
0x1d: {  	s5 =	simm.s32 @p1 $0x1;
	p0 =	seq.s32 s7, s2  }
0x1e: {  	s7 =	smul.u32 @!p0 $0xF7A, s2;
	p2 =	seq.s32 @!p0 s5, $0x0  }
0x1f: {  	s9 =	smul.u32 $0xF7A, s1;
	s8 =	simm.s32 @!p0 $0x1BF5;
	p2 =	por !p2, p0  }
0x20: {  	[sflag:s8] =	ssyncset.s32 @!p0 $0xFFFFF086;
	s6 =	sadd.s32 @!p0 s3, s7;
	s7 =	simm.s32 @!p0 $0x108  }
0x21: {  	s3 =	sadd.s32 s3, s9;
	s6 =	sadd.s32 @!p0 $0x88, s6;
	s7 =	simm.s32 @p2 $0x1082  }
0x22: {  	[simem:s7], [sflag:s8] =	dma.local @!p0 [hbm:s6], $0xF7A  }
0x23: {  	s9 =	sor.u32 $0xD0000000, s2;
	s6 =	simm.s32 $0x108;
	_ =	swait.ge @!p0 [sflag:s8], $0x0  }
0x24: {  	s3 =	sadd.s32 $0x88, s3;
	s6 =	simm.s32 @!p1 $0x1082;
	[sflag:s4] =	ssyncset.s32 $0xFFFFF086  }
0x25: {  	[simem:s6], [sflag:s4] =	dma.local [hbm:s3], $0xF7A  }
0x26: {  	[smem:$0x3F93] =	sst s1;
	(tag) =	ssettag s2;
	_ =	strace s9  }
0x27: {  	s1 =	sld [smem:$0x3FA3]  }
0x28: {  	s2 =	sld [smem:$0x3FA4]  }
0x29: {  	s4 =	sld [smem:$0x3FA6]  }
0x2a: {  	p0 =	seq.s32 s5, $0x0;
	s5 =	sld [smem:$0x3FA7]  }
0x2b: {  	s6 =	sld [smem:$0x3FA8]  }
0x2c: {  	s7 =	sld [smem:$0x3FA9]  }
0x2d: {  	s3 =	simm.s32 $0x108;
	s8 =	sld [smem:$0x3FAA]  }
0x2e: {  	s3 =	simm.s32 @!p0 $0x1082;
	s9 =	sld [smem:$0x3FAB]  }
0x2f: {  	lr =	sadd.s32 s0, s3;
	s0 =	sld [smem:$0x3FA2]  }
0x30: {  	s3 =	sld [smem:$0x3FA5]  }
0x31: {  	[smem:$0x3FAE] =	sst s10  }
0x32: {  	s10 =	sld [smem:$0x3FAC];
	_ =	sdelay $0x3  }
0x33: {  	p0 =	seq.s32 s10, $0x1;
	s10 =	sld [smem:$0x3FAE];
	_ =	sdelay $0x3  }
0x34: {  	[smem:$0x3FAE] =	sst s10  }
0x35: {  	s10 =	sld [smem:$0x3FAD];
	_ =	sdelay $0x3  }
0x36: {  	p1 =	seq.s32 s10, $0x1;
	s10 =	sld [smem:$0x3FAE];
	_ =	sdelay $0x3  }
0x37: {  	[smem:$0x3FAE] =	sst s10  }
0x38: {  	s10 =	sld [smem:$0x3FAF]  }
0x39: {  	_ = 	snop;
	(pc) =	sbr.ind lr, $3  }
0x3a: {  	_ = 	snop  }
0x3b: {  	_ = 	snop  }
0x3c: {  	p2 =	seq.s32 s10, $0x1;
	s10 =	sld [smem:$0x3FAE]  }
0x3d: {  	_ =	shalt  }
0x3e: {  	_ =	shalt  }
0x3f: {  	_ =	shalt  }
0x40: {  	_ =	shalt  }
0x41: {  	_ =	shalt  }
0x42: {  	_ =	shalt  }
0x43: {  	_ =	shalt  }
0x44: {  	_ =	shalt  }
0x45: {  	_ =	shalt  }
0x46: {  	_ =	shalt  }
0x47: {  	_ =	shalt  }
0x48: {  	_ =	shalt  }
0x49: {  	_ =	shalt  }
0x4a: {  	_ =	shalt  }
0x4b: {  	_ =	shalt  }
0x4c: {  	_ =	shalt  }
0x4d: {  	_ =	shalt  }
0x4e: {  	_ =	shalt  }
0x4f: {  	_ =	shalt  }
0x50: {  	_ =	shalt  }
0x51: {  	_ =	shalt  }
0x52: {  	_ =	shalt  }
0x53: {  	_ =	shalt  }
0x54: {  	_ =	shalt  }
0x55: {  	_ =	shalt  }
0x56: {  	_ =	shalt  }
0x57: {  	_ =	shalt  }
0x58: {  	_ =	shalt  }
0x59: {  	_ =	shalt  }
0x5a: {  	_ =	shalt  }
0x5b: {  	_ =	shalt  }
0x5c: {  	_ =	shalt  }
0x5d: {  	_ =	shalt  }
0x5e: {  	_ =	shalt  }
0x5f: {  	_ =	shalt  }
0x60: {  	_ =	shalt  }
0x61: {  	_ =	shalt  }
0x62: {  	_ =	shalt  }
0x63: {  	_ =	shalt  }
0x64: {  	_ =	shalt  }
0x65: {  	_ =	shalt  }
0x66: {  	_ =	shalt  }
0x67: {  	_ =	shalt  }
0x68: {  	_ =	shalt  }
0x69: {  	_ =	shalt  }
0x6a: {  	_ =	shalt  }
0x6b: {  	_ =	shalt  }
0x6c: {  	_ =	shalt  }
0x6d: {  	_ =	shalt  }
0x6e: {  	_ =	shalt  }
0x6f: {  	_ =	shalt  }
0x70: {  	_ =	shalt  }
0x71: {  	_ =	shalt  }
0x72: {  	_ =	shalt  }
0x73: {  	_ =	shalt  }
0x74: {  	_ =	shalt  }
0x75: {  	_ =	shalt  }
0x76: {  	_ =	shalt  }
0x77: {  	_ =	shalt  }
0x78: {  	_ =	shalt  }
0x79: {  	_ =	shalt  }
0x7a: {  	_ =	shalt  }
0x7b: {  	_ =	shalt  }
0x7c: {  	_ =	shalt  }
0x7d: {  	_ =	shalt  }
0x7e: {  	_ =	shalt  }
0x7f: {  	_ =	shalt  }
0x80: {  	_ =	shalt  }
0x81: {  	_ =	shalt  }
0x82: {  	_ =	shalt  }
0x83: {  	_ =	shalt  }
0x84: {  	_ =	shalt  }
0x85: {  	_ =	shalt  }
0x86: {  	_ =	shalt  }
0x87: {  	_ =	shalt  }
.Lfunc_end0:
.L_simem_size_0:
called_computation.2_lowered:
.L_overlay_start_0:
0x88: {  	s2 =	sld [smem:$0x3FD9]  }
0x89: {  	s3 =	sld [smem:$0x3FFE];
	_ =	sdelay $0x1  }
0x8a: {  	s1 =	srdreg.scid  }
0x8b: {  	s0 =	sand.u32 $0x1, s1  }
0x8c: {  	s16 =	sshll.u32 s0, $0xA;
	s2 =	sadd.s32 s3, s2  }
0x8d: {  	s2 =	sadd.s32 s2, s16  }
0x8e: {  	[smem:$0x3FBA] =	sst s2  }
0x8f: {  	_ = 	snop  }
0x90: {  	(tm) =	ssettm $0x1  }
0x91: {  	s17 =	sld [smem:$0x3FFB];
	_ =	sdelay $0x3  }
0x92: {  	_ =	strace s17  }
0x93: {  	s2 =	sld [smem:$0x3FFC];
	_ =	sdelay $0x3  }
0x94: {  	_ =	strace s2  }
0x95: {  	s2 =	sld [smem:$0x3FFD];
	_ =	sdelay $0x3  }
0x96: {  	_ =	strace s2  }
0x97: {  	_ =	strace $0x8FFFFFFF  }
0x98: {  	s18 =	sld [smem:$0x3FDB];
	_ =	sdelay $0x1  }
0x99: {  	s19 =	simm.s32 $_scs_section_size  }
0x9a: {  	s4 =	simm.s32 $_size__tile_overlayer_lowered;
	s5 =	simm.s32 $_tile_overlayer_lowered  }
0x9b: {  	s22 =	simm.s32 $0x1BFF;
	s21 =	sshll.u32 s5, $0x1;
	s2 =	sadd.s32 s19, s18  }
0x9c: {  	s6 =	simm.s32 $0x0;
	s20 =	sshll.u32 s4, $0x1;
	s4 =	sadd.s32 s21, s2  }
0x9d: {  	[timem:s6], [sflag:s22] =	dma.local [hbm:s4], s20  }
0x9e: {  	_ =	swait.ge [sflag:s22], s20  }
0x9f: {  	s3 =	ssub.s32 $0x0, s20;
	[sflag:s22] =	ssyncset.done $0x0  }
0xa0: {  	[sflag:s22] =	ssyncadd.s32 s3;
	_ =	sdelay $0x1  }
0xa1: {  	s23 =	simm.s32 $0x1B8B  }
0xa2: {  	_ =	swait.ge [sflag:s23], $0x1  }
0xa3: {  	[sflag:s23] =	ssyncset.done $0x0  }
0xa4: {  	s25 =	simm.s32 $0x1B8E;
	s24 =	sld [smem:$0x3FFE];
	[sflag:s23] =	ssyncadd.s32 $0xFFFFFFFF  }
0xa5: {  	s26 =	simm.s32 $execute0_lowered;
	[smem:$0x3FD2] =	sst s25  }
0xa6: {  	s4 =	sshll.u32 s26, $0x1;
	_ =	strace $0x8000004C;
	[dreg:$0x1] =	wrdreg $0xFFFFFFFF  }
0xa7: {  	s28 =	simm.s32 $_size_execute0_lowered;
	s2 =	sadd.s32 s2, s4;
	[dreg:$0x0] =	wrdreg $0x0  }
0xa8: {  	s4 =	sshll.u32 s28, $0x1;
	[dreg:$0x2] =	wrdreg s2  }
0xa9: {  	[dreg:$0x3] =	wrdreg s4  }
0xaa: {  	[dreg:$0x4] =	wrdreg $0xC0  }
0xab: {  	_ =	task [dreg:s6], $0x5FFFF  }
0xac: {  	[dreg:$0x1] =	wrdreg $0xFFFFFFFF  }
0xad: {  	[dreg:$0x0] =	wrdreg $0x60  }
0xae: {  	[dreg:$0x2] =	wrdreg s24  }
0xaf: {  	[dreg:$0x3] =	wrdreg $0xA8000  }
0xb0: {  	[dreg:$0x4] =	wrdreg $0x9  }
0xb1: {  	_ =	task.clear_ibuf [dreg:s6], $0x5FFFF;
	_ =	strace $0x9000004C  }
0xb2: {  	s29 =	simm.s32 $0x9;
	_ =	strace $0x8000004E  }
0xb3: {  	_ =	swait.ge [sflag:s29], $0x1  }
0xb4: {  	[sflag:s29] =	ssyncadd.s32 $0xFFFFFFFF  }
0xb5: {  	_ =	strace $0x9000004E  }
0xb6: {  	_ =	sfence  }
0xb7: {  	s30 =	sld [smem:$0x0];
	_ =	sdelay $0x2  }
0xb8: {  	s31 =	sshll.u32 s1, $0xD;
	s1 =	sshrl.u32 s1, $0x2  }
0xb9: {  	s3 =	sand.u32 $0x4000, s31;
	s1 =	sadd.s32 s1, s30  }
0xba: {  	s0 =	sor.u32 s3, s0;
	s1 =	sshll.u32 s1, $0x11  }
0xbb: {  	s0 =	sor.u32 s1, s0  }
0xbc: {  	s0 =	sadd.s32 $0x8F2B, s0  }
0xbd: {  	[sflag:s0] =	ssyncadd.remote.s32 $0x1  }
0xbe: {  	_ =	sfence.sel $0xFFFF  }
0xbf: {  	[dreg:$0x0] =	wrdreg $0xFFFFFFFF;
	(pc) =	sbr.abs _section_cstart, $3  }
0xc0: {  	[dreg:$0x1] =	wrdreg $0xFFFFFFFF  }
0xc1: {  	_ =	task.clear_ibuf [dreg:s6], $0x2FFFF;
	_ =	strace $0x9FFFFFFF  }
0xc2: {  	(tm) =	ssettm $0x7FFFFFFF  }
0xc3: {  	_ =	shalt  }
tec
execute0_lowered:
.L_overlay_start_1:
0x0: {  	(tag) =	ssettag $0x1  }
0x1: {  	s5 =	rddreg [dreg:$0x0];
	s0 =	srdreg.scid  }
0x2: {  	s2 =	rddreg [dreg:$0x1];
	s1 =	stileid.u32  }
0x3: {  	s3 =	simm.s32 $0x0;
	s17 =	simm.s32 $0x3;
	s18 =	simm.s32 $0x1400  }
0x4: {  	s19 =	simm.s32 $0x80;
	s20 =	simm.s32 $0x1;
	s21 =	simm.s32 $0x6800  }
0x5: {  	s22 =	simm.s32 $0x2;
	s23 =	simm.s32 $0x1380;
	s24 =	simm.s32 $0x2700  }
0x6: {  	s25 =	simm.s32 $0x2780;
	s6 =	sand.u32 $0x1, s0;
	s0 =	rddreg [dreg:$0x2]  }
0x7: {  	s8 =	smul.u32 $0x14000, s1;
	[smem:$0x7FF] =	sst s3;
	s4 =	sadd.s32 $0x21800, s5  }
0x8: {  	s12 =	sadd.s32 $0x17800, s5;
	s26 =	smul.u32 $0x50000, s1;
	s28 =	sshll.u32 s1, $0x1  }
0x9: {  	s13 =	sadd.s32 $0xD800, s5;
	s7 =	smul.u32 $0x140000, s6;
	s9 =	sor.u32 s6, s28  }
0xa: {  	_ =	strace $0x8000004D;
	s29 =	ssub.s32 $0x2, s6;
	s10 =	smul.u32 $0x2800, s9  }
0xb: {  	s31 =	sshrl.u32 s29, $0x1;
	s11 =	smul.u32 $0x500, s9;
	s7 =	sadd.s32 s8, s7  }
0xc: {  	s30 =	sshrl.u32 s26, $0x2;
	s15 =	ssub.s32 s29, s31;
	s7 =	sshrl.u32 s7, $0x3  }
0xd: {  	s16 =	sshrl.u32 s10, $0x3;
	s10 =	sadd.s32 s12, s11;
	s11 =	sadd.s32 s13, s11  }
0xe: {  	s15 =	smax.u32 s15, $0x1;
	s14 =	sadd.s32 s7, s5;
	s5 =	sadd.s32 s30, s2  }
0xf: {  	s16 =	sadd.s32 $0x280, s16;
	s6 =	sadd.s32 $0x4000, s5;
	s7 =	sadd.s32 $0x8000, s5  }
0x10: {  	s8 =	sadd.s32 $0xC000, s5;
	s9 =	sadd.s32 $0x10000, s5;
	s12 =	sadd.s32 s12, s16  }
0x11: {  	v0 =	vimm.f32 $0.0e+00;
	s13 =	sadd.s32 s13, s16;
	s14 =	sadd.s32 $0x48A00, s14;
	s16 =	simm.s32 $0x2800  }
.LBB2_1:
0x12: {  	s26 =	simm.s32 $0x0;
	s28 =	simm.s32 $0x200  }
.LBB2_2:
0x13: {  	p0 =	sne.s32 s28, $0xFE00;
	[tilespmem:s26+$0x2870] =	vst v0  }
0x14: {  	[tilespmem:s26+$0x2800] =	vst v0  }
0x15: {  	[tilespmem:s26+$0x2810] =	vst v0  }
.Ltmp0:
0x16: {  	[tilespmem:s26+$0x2820] =	vst v0;
	(pc) =	sbr.rel @p0 .LBB2_2-.Ltmp0, $4  }
0x17: {  	[tilespmem:s26+$0x2830] =	vst v0  }
0x18: {  	[tilespmem:s26+$0x2840] =	vst v0  }
0x19: {  	[tilespmem:s26+$0x2850] =	vst v0  }
0x1a: {  	[tilespmem:s26+$0x2860] =	vst v0;
	s26 =	sshra.s32 s28, $0x2;
	s28 =	sadd.s32 $0x200, s28  }
0x1b: {  	[tilespmem:s26+$0x2870] =	vst v0  }
0x1c: {  	[tilespmem:s26+$0x2800] =	vst v0  }
0x1d: {  	[tilespmem:s26+$0x2810] =	vst v0  }
0x1e: {  	[tilespmem:s26+$0x2820] =	vst v0  }
0x1f: {  	[tilespmem:s26+$0x2830] =	vst v0  }
0x20: {  	[tilespmem:s26+$0x2840] =	vst v0  }
0x21: {  	[tilespmem:s26+$0x2850] =	vst v0  }
0x22: {  	[tilespmem:s26+$0x2860] =	vst v0  }
0x23: {  	[spmem:s5] =	stream.linear.scatter [tilespmem:s16], [sflag:$0x3], $0x4000, $0x38;
	[tilespmem:$0x1E800] =	vst v63  }
0x24: {  	_ =	swait.ge [sflag:s17], $0x4000  }
0x25: {  	[sflag:s17] =	ssyncset.done $0x0  }
0x26: {  	[sflag:s17] =	ssyncadd.s32 $0xFFFFC000  }
0x27: {  	[spmem:s6] =	stream.linear.scatter [tilespmem:s16], [sflag:$0x3], $0x4000, $0x38;
	[tilespmem:$0x1E800] =	vst v63  }
0x28: {  	_ =	swait.ge [sflag:s17], $0x4000  }
0x29: {  	[sflag:s17] =	ssyncset.done $0x0  }
0x2a: {  	[sflag:s17] =	ssyncadd.s32 $0xFFFFC000  }
0x2b: {  	[spmem:s7] =	stream.linear.scatter [tilespmem:s16], [sflag:$0x3], $0x4000, $0x38;
	[tilespmem:$0x1E800] =	vst v63  }
0x2c: {  	_ =	swait.ge [sflag:s17], $0x4000  }
0x2d: {  	[sflag:s17] =	ssyncset.done $0x0  }
0x2e: {  	[sflag:s17] =	ssyncadd.s32 $0xFFFFC000  }
0x2f: {  	[spmem:s8] =	stream.linear.scatter [tilespmem:s16], [sflag:$0x3], $0x4000, $0x38;
	[tilespmem:$0x1E800] =	vst v63  }
0x30: {  	_ =	swait.ge [sflag:s17], $0x4000  }
0x31: {  	[sflag:s17] =	ssyncset.done $0x0  }
0x32: {  	[sflag:s17] =	ssyncadd.s32 $0xFFFFC000  }
0x33: {  	[spmem:s9] =	stream.linear.scatter [tilespmem:s16], [sflag:$0x3], $0x4000, $0x38;
	[tilespmem:$0x1E800] =	vst v63  }
0x34: {  	_ =	swait.ge [sflag:s17], $0x4000  }
0x35: {  	[sflag:s17] =	ssyncset.done $0x0  }
0x36: {  	[sflag:s17] =	ssyncadd.s32 $0xFFFFC000  }
0x37: {  	s31 =	simm.s32 $0x0;
	[bflag:$0x0] =	sbarrier.arrive $0xFFFF  }
0x38: {  	[tilespmem:s31], [sflag:$0x3] =	stream.linear.gather [hbm4b:s10+s31], $0x1400, $0x38;
	[tilespmem:$0x1E800] =	vst v63  }
0x39: {  	_ =	swait.ge [sflag:s17], $0x1400  }
0x3a: {  	[sflag:s17] =	ssyncset.done $0x0  }
0x3b: {  	[sflag:s17] =	ssyncadd.s32 $0xFFFFEC00  }
0x3c: {  	[tilespmem:s18], [sflag:$0x3] =	stream.linear.gather [hbm4b:s11+s31], $0x1400, $0x38;
	[tilespmem:$0x1E800] =	vst v63  }
0x3d: {  	_ =	swait.ge [sflag:s17], $0x1400  }
0x3e: {  	[sflag:s17] =	ssyncset.done $0x0  }
0x3f: {  	[sflag:s17] =	ssyncadd.s32 $0xFFFFEC00  }
0x40: {  	[tilespmem:s16], [sflag:$0x1] =	stream.indirect.gather [hbm4b:s4+s19], $0x80, s31, s19, $0xb8;
	[tilespmem:$0x1E800] =	vst v63  }
0x41: {  	_ =	swait.ge [sflag:s20], $0x4000  }
0x42: {  	[sflag:s20] =	ssyncset.done $0x0  }
0x43: {  	s28 =	simm.s32 $0x80;
	[sflag:s20] =	ssyncadd.s32 $0xFFFFC000  }
0x44: {  	[tilespmem:s21], [sflag:$0x2] =	stream.indirect.gather [hbm4b:s4+s19], $0x80, s28, s19, $0xb8;
	[tilespmem:$0x1E800] =	vst v63  }
0x45: {  	s29 =	simm.s32 $0x1400  }
0x46: {  	[spmem:s2] =	stream.indirect.scatter.add.f32 [tilespmem:s16], [sflag:$0x3], $0x80, s29, s19, $0xb8;
	[tilespmem:$0x1E800] =	vst v63  }
0x47: {  	_ =	swait.ge [sflag:s17], $0x4000  }
0x48: {  	[sflag:s17] =	ssyncset.done $0x0  }
0x49: {  	[sflag:s17] =	ssyncadd.s32 $0xFFFFC000  }
0x4a: {  	_ =	swait.ge [sflag:s22], $0x4000  }
0x4b: {  	[sflag:s22] =	ssyncset.done $0x0  }
0x4c: {  	s30 =	simm.s32 $0x100;
	[sflag:s22] =	ssyncadd.s32 $0xFFFFC000  }
0x4d: {  	[tilespmem:s16], [sflag:$0x1] =	stream.indirect.gather [hbm4b:s4+s19], $0x80, s30, s19, $0xb8;
	[tilespmem:$0x1E800] =	vst v63  }
0x4e: {  	s31 =	simm.s32 $0x1480  }
0x4f: {  	[spmem:s2] =	stream.indirect.scatter.add.f32 [tilespmem:s21], [sflag:$0x3], $0x80, s31, s19, $0xb8;
	[tilespmem:$0x1E800] =	vst v63  }
0x50: {  	_ =	swait.ge [sflag:s17], $0x4000  }
0x51: {  	s26 =	simm.s32 $0x400;
	[sflag:s17] =	ssyncset.done $0x0  }
.LBB2_4:
0x52: {  	p0 =	sne.s32 s26, $0x4800  }
0x53: {  	[sflag:s17] =	ssyncadd.s32 $0xFFFFC000;
	s28 =	smov.u32 s26;
	s26 =	sadd.s32 $0x400, s26  }
0x54: {  	_ = 	snop  }
0x55: {  	_ =	swait.ge [sflag:s20], $0x4000  }
0x56: {  	s28 =	sshra.s32 s28, $0x2;
	[sflag:s20] =	ssyncset.done $0x0  }
0x57: {  	s29 =	sadd.s32 $0x80, s28;
	[sflag:s20] =	ssyncadd.s32 $0xFFFFC000  }
0x58: {  	[tilespmem:s21], [sflag:$0x2] =	stream.indirect.gather [hbm4b:s4+s19], $0x80, s29, s19, $0xb8;
	[tilespmem:$0x1E800] =	vst v63  }
0x59: {  	s29 =	sadd.s32 $0x1400, s28  }
0x5a: {  	[spmem:s2] =	stream.indirect.scatter.add.f32 [tilespmem:s16], [sflag:$0x3], $0x80, s29, s19, $0xb8;
	[tilespmem:$0x1E800] =	vst v63  }
0x5b: {  	_ =	swait.ge [sflag:s17], $0x4000  }
0x5c: {  	[sflag:s17] =	ssyncset.done $0x0  }
0x5d: {  	[sflag:s17] =	ssyncadd.s32 $0xFFFFC000  }
0x5e: {  	_ =	swait.ge [sflag:s22], $0x4000  }
0x5f: {  	[sflag:s22] =	ssyncset.done $0x0  }
0x60: {  	s29 =	sadd.s32 $0x100, s28;
	[sflag:s22] =	ssyncadd.s32 $0xFFFFC000  }
0x61: {  	[tilespmem:s16], [sflag:$0x1] =	stream.indirect.gather [hbm4b:s4+s19], $0x80, s29, s19, $0xb8;
	[tilespmem:$0x1E800] =	vst v63  }
.Ltmp1:
0x62: {  	_ = 	snop;
	(pc) =	sbr.rel @p0 .LBB2_4-.Ltmp1, $4  }
0x63: {  	s28 =	sadd.s32 $0x1480, s28  }
0x64: {  	[spmem:s2] =	stream.indirect.scatter.add.f32 [tilespmem:s21], [sflag:$0x3], $0x80, s28, s19, $0xb8;
	[tilespmem:$0x1E800] =	vst v63  }
0x65: {  	_ =	swait.ge [sflag:s17], $0x4000  }
0x66: {  	[sflag:s17] =	ssyncset.done $0x0  }
0x67: {  	[sflag:s17] =	ssyncadd.s32 $0xFFFFC000  }
0x68: {  	_ =	swait.ge [sflag:s20], $0x4000  }
0x69: {  	[sflag:s20] =	ssyncset.done $0x0  }
0x6a: {  	[sflag:s20] =	ssyncadd.s32 $0xFFFFC000  }
0x6b: {  	[tilespmem:s21], [sflag:$0x2] =	stream.indirect.gather [hbm4b:s4+s19], $0x80, s23, s19, $0xb8;
	[tilespmem:$0x1E800] =	vst v63  }
0x6c: {  	_ = 	snop  }
0x6d: {  	[spmem:s2] =	stream.indirect.scatter.add.f32 [tilespmem:s16], [sflag:$0x3], $0x80, s24, s19, $0xb8;
	[tilespmem:$0x1E800] =	vst v63  }
0x6e: {  	_ =	swait.ge [sflag:s17], $0x4000  }
0x6f: {  	[sflag:s17] =	ssyncset.done $0x0  }
0x70: {  	[sflag:s17] =	ssyncadd.s32 $0xFFFFC000  }
0x71: {  	_ =	swait.ge [sflag:s22], $0x4000  }
0x72: {  	[sflag:s22] =	ssyncset.done $0x0  }
0x73: {  	[sflag:s22] =	ssyncadd.s32 $0xFFFFC000  }
0x74: {  	[spmem:s2] =	stream.indirect.scatter.add.f32 [tilespmem:s21], [sflag:$0x3], $0x80, s25, s19, $0xb8;
	[tilespmem:$0x1E800] =	vst v63  }
0x75: {  	_ =	swait.ge [sflag:s17], $0x4000  }
0x76: {  	[sflag:s17] =	ssyncset.done $0x0  }
0x77: {  	s26 =	simm.s32 $0x0;
	[sflag:s17] =	ssyncadd.s32 $0xFFFFC000  }
0x78: {  	[tilespmem:s26], [sflag:$0x3] =	stream.linear.gather [hbm4b:s12+s26], $0x1400, $0x38;
	[tilespmem:$0x1E800] =	vst v63  }
0x79: {  	_ =	swait.ge [sflag:s17], $0x1400  }
0x7a: {  	[sflag:s17] =	ssyncset.done $0x0  }
0x7b: {  	[sflag:s17] =	ssyncadd.s32 $0xFFFFEC00  }
0x7c: {  	[tilespmem:s18], [sflag:$0x3] =	stream.linear.gather [hbm4b:s13+s26], $0x1400, $0x38;
	[tilespmem:$0x1E800] =	vst v63  }
0x7d: {  	_ =	swait.ge [sflag:s17], $0x1400  }
0x7e: {  	[sflag:s17] =	ssyncset.done $0x0  }
0x7f: {  	[sflag:s17] =	ssyncadd.s32 $0xFFFFEC00  }
0x80: {  	[tilespmem:s16], [sflag:$0x1] =	stream.indirect.gather [hbm4b:s4+s19], $0x80, s26, s19, $0xb8;
	[tilespmem:$0x1E800] =	vst v63  }
0x81: {  	_ =	swait.ge [sflag:s20], $0x4000  }
0x82: {  	[sflag:s20] =	ssyncset.done $0x0  }
0x83: {  	s28 =	simm.s32 $0x80;
	[sflag:s20] =	ssyncadd.s32 $0xFFFFC000  }
0x84: {  	[tilespmem:s21], [sflag:$0x2] =	stream.indirect.gather [hbm4b:s4+s19], $0x80, s28, s19, $0xb8;
	[tilespmem:$0x1E800] =	vst v63  }
0x85: {  	s29 =	simm.s32 $0x1400  }
0x86: {  	[spmem:s2] =	stream.indirect.scatter.add.f32 [tilespmem:s16], [sflag:$0x3], $0x80, s29, s19, $0xb8;
	[tilespmem:$0x1E800] =	vst v63  }
0x87: {  	_ =	swait.ge [sflag:s17], $0x4000  }
0x88: {  	[sflag:s17] =	ssyncset.done $0x0  }
0x89: {  	[sflag:s17] =	ssyncadd.s32 $0xFFFFC000  }
0x8a: {  	_ =	swait.ge [sflag:s22], $0x4000  }
0x8b: {  	[sflag:s22] =	ssyncset.done $0x0  }
0x8c: {  	s30 =	simm.s32 $0x100;
	[sflag:s22] =	ssyncadd.s32 $0xFFFFC000  }
0x8d: {  	[tilespmem:s16], [sflag:$0x1] =	stream.indirect.gather [hbm4b:s4+s19], $0x80, s30, s19, $0xb8;
	[tilespmem:$0x1E800] =	vst v63  }
0x8e: {  	s31 =	simm.s32 $0x1480  }
0x8f: {  	[spmem:s2] =	stream.indirect.scatter.add.f32 [tilespmem:s21], [sflag:$0x3], $0x80, s31, s19, $0xb8;
	[tilespmem:$0x1E800] =	vst v63  }
0x90: {  	_ =	swait.ge [sflag:s17], $0x4000  }
0x91: {  	s26 =	simm.s32 $0x400;
	[sflag:s17] =	ssyncset.done $0x0  }
.LBB2_6:
0x92: {  	p0 =	sne.s32 s26, $0x4800  }
0x93: {  	[sflag:s17] =	ssyncadd.s32 $0xFFFFC000;
	s28 =	smov.u32 s26;
	s26 =	sadd.s32 $0x400, s26  }
0x94: {  	_ = 	snop  }
0x95: {  	_ =	swait.ge [sflag:s20], $0x4000  }
0x96: {  	s28 =	sshra.s32 s28, $0x2;
	[sflag:s20] =	ssyncset.done $0x0  }
0x97: {  	s29 =	sadd.s32 $0x80, s28;
	[sflag:s20] =	ssyncadd.s32 $0xFFFFC000  }
0x98: {  	[tilespmem:s21], [sflag:$0x2] =	stream.indirect.gather [hbm4b:s4+s19], $0x80, s29, s19, $0xb8;
	[tilespmem:$0x1E800] =	vst v63  }
0x99: {  	s29 =	sadd.s32 $0x1400, s28  }
0x9a: {  	[spmem:s2] =	stream.indirect.scatter.add.f32 [tilespmem:s16], [sflag:$0x3], $0x80, s29, s19, $0xb8;
	[tilespmem:$0x1E800] =	vst v63  }
0x9b: {  	_ =	swait.ge [sflag:s17], $0x4000  }
0x9c: {  	[sflag:s17] =	ssyncset.done $0x0  }
0x9d: {  	[sflag:s17] =	ssyncadd.s32 $0xFFFFC000  }
0x9e: {  	_ =	swait.ge [sflag:s22], $0x4000  }
0x9f: {  	[sflag:s22] =	ssyncset.done $0x0  }
0xa0: {  	s29 =	sadd.s32 $0x100, s28;
	[sflag:s22] =	ssyncadd.s32 $0xFFFFC000  }
0xa1: {  	[tilespmem:s16], [sflag:$0x1] =	stream.indirect.gather [hbm4b:s4+s19], $0x80, s29, s19, $0xb8;
	[tilespmem:$0x1E800] =	vst v63  }
.Ltmp2:
0xa2: {  	_ = 	snop;
	(pc) =	sbr.rel @p0 .LBB2_6-.Ltmp2, $4  }
0xa3: {  	s28 =	sadd.s32 $0x1480, s28  }
0xa4: {  	[spmem:s2] =	stream.indirect.scatter.add.f32 [tilespmem:s21], [sflag:$0x3], $0x80, s28, s19, $0xb8;
	[tilespmem:$0x1E800] =	vst v63  }
0xa5: {  	_ =	swait.ge [sflag:s17], $0x4000  }
0xa6: {  	[sflag:s17] =	ssyncset.done $0x0  }
0xa7: {  	[sflag:s17] =	ssyncadd.s32 $0xFFFFC000  }
0xa8: {  	_ =	swait.ge [sflag:s20], $0x4000  }
0xa9: {  	[sflag:s20] =	ssyncset.done $0x0  }
0xaa: {  	[sflag:s20] =	ssyncadd.s32 $0xFFFFC000  }
0xab: {  	[tilespmem:s21], [sflag:$0x2] =	stream.indirect.gather [hbm4b:s4+s19], $0x80, s23, s19, $0xb8;
	[tilespmem:$0x1E800] =	vst v63  }
0xac: {  	_ = 	snop  }
0xad: {  	[spmem:s2] =	stream.indirect.scatter.add.f32 [tilespmem:s16], [sflag:$0x3], $0x80, s24, s19, $0xb8;
	[tilespmem:$0x1E800] =	vst v63  }
0xae: {  	_ =	swait.ge [sflag:s17], $0x4000  }
0xaf: {  	[sflag:s17] =	ssyncset.done $0x0  }
0xb0: {  	[sflag:s17] =	ssyncadd.s32 $0xFFFFC000  }
0xb1: {  	_ =	swait.ge [sflag:s22], $0x4000  }
0xb2: {  	[sflag:s22] =	ssyncset.done $0x0  }
0xb3: {  	[sflag:s22] =	ssyncadd.s32 $0xFFFFC000  }
0xb4: {  	[spmem:s2] =	stream.indirect.scatter.add.f32 [tilespmem:s21], [sflag:$0x3], $0x80, s25, s19, $0xb8;
	[tilespmem:$0x1E800] =	vst v63  }
0xb5: {  	_ =	swait.ge [sflag:s17], $0x4000  }
0xb6: {  	s26 =	sshll.u32 s1, $0x6;
	s3 =	sadd.s32 $0x1, s3;
	[sflag:s17] =	ssyncset.done $0x0  }
0xb7: {  	s28 =	sshrl.u32 s5, $0x3;
	p0 =	sne.s32 s3, s15;
	[sflag:s17] =	ssyncadd.s32 $0xFFFFC000  }
.Ltmp3:
0xb8: {  	s26 =	sor.u32 $0x1C03, s26;
	[bflag:$0x0] =	sbarrier.arrive $0xFFFF;
	(pc) =	sbr.rel @p0 .LBB2_1-.Ltmp3, $4  }
0xb9: {  	[hbm:s14], [sflag:s26] =	dma.local [spmem:s28], $0x2800  }
0xba: {  	_ =	swait.ge [sflag:s17], $0x2800  }
0xbb: {  	[sflag:s17] =	ssyncset.done $0x0  }
0xbc: {  	[sflag:s17] =	ssyncadd.s32 $0xFFFFD800  }
0xbd: {  	_ =	sfence.sel $0x180000  }
0xbe: {  	[bflag:$0x0] =	sbarrier.arrive $0xFFFF  }
0xbf: {  	p0 =	sne.s32 s1, $0x0;
	_ =	strace $0x9000004D  }
0xc0: {  	s0 =	sadd.s32 @!p0 $0x100000, s0;
	[bflag:$0x2] =	sbarrier.arrive $0xFFFF  }
0xc1: {  	[sflag:s0] =	ssyncadd.tile.s32 @!p0 $0x1;
	_ =	shalt  }
.Lfunc_end2:
_tile_overlayer_lowered:
.L_overlay_start_2:
0xc2: {  	(tag) =	ssettag $0x2  }
0xc3: {  	s0 =	rddreg [dreg:$0x0];
	s2 =	stileid.u32  }
0xc4: {  	s1 =	rddreg [dreg:$0x1];
	p0 =	sne.s32 s2, $0x0  }
0xc5: {  	s3 =	rddreg [dreg:$0x2];
	[bflag:$0x3] =	sbarrier.arrive $0xFFFF;
	s2 =	simm.s32 @!p0 $0x1C03  }
0xc6: {  	[timem:s3], [sflag:s2] =	dma.local @!p0 [hbm:s0], s1  }
0xc7: {  	s0 =	simm.s32 @!p0 $0x3  }
0xc8: {  	_ =	swait.ge @!p0 [sflag:s0], s1  }
0xc9: {  	s1 =	ssub.s32 @!p0 $0x0, s1;
	[sflag:s0] =	ssyncset.done @!p0 $0x0  }
0xca: {  	[sflag:s0] =	ssyncadd.s32 @!p0 s1  }
0xcb: {  	[bflag:$0x3] =	sbarrier.arrive $0xFFFF  }
0xcc: {  	_ =	shalt  }

</sc_bundles>
